<compile_context>
chip_gen: v7x
topology: tpu7x:2x2x1
jax: 0.10.2.dev20260603
libtpu: 0.0.44.dev20260713+nightly
codegen_flags: <defaults>
</compile_context>

<pallas_src>
import functools

import jax
import jax.numpy as jnp
from jax import lax
from jax.experimental import pallas as pl
from jax.experimental.pallas import tpu as pltpu
from jax.experimental.pallas import tpu_sc as plsc

NH = 64
RH = 32
RL = 2
IC = 3
K = 1024
D = 64
CC = 0.25
B = 8
H1 = 112
H2 = 56
M2 = H2 * H2
NPIX = B * M2
VQ_BLK = 1568
VQ_STEPS = NPIX // VQ_BLK
SC_NW = 32
SC_CHUNK = NPIX // SC_NW

_HIGH = jax.lax.Precision.DEFAULT
_PAR = pltpu.CompilerParams(dimension_semantics=("parallel",))


def _mm(a, b):
    return jax.lax.dot_general(a, b, (((1,), (0,)), ((), ())),
                               precision=_HIGH,
                               preferred_element_type=jnp.float32)


def _pad1(h3):
    H, W, C = h3.shape
    zc = jnp.zeros((H, 1, C), h3.dtype)
    hp = jnp.concatenate([zc, h3, zc], axis=1)
    zr = jnp.zeros((1, W + 2, C), h3.dtype)
    return jnp.concatenate([zr, hp, zr], axis=0)


def _conv3(h3, w9, b):
    H, W, C = h3.shape
    O = w9.shape[2]
    hp = _pad1(h3)
    acc = jnp.zeros((H * W, O), jnp.float32)
    t = 0
    for di in range(3):
        for dj in range(3):
            acc = acc + _mm(hp[di:di + H, dj:dj + W, :].reshape(H * W, C), w9[t])
            t += 1
    return acc + b


def _full(s):
    return pl.BlockSpec(s, lambda i: (0,) * len(s))


def _e1_body(x_ref, w_ref, b_ref, o_ref):
    y = _mm(x_ref[0], w_ref[...]) + b_ref[...]
    o_ref[0] = jnp.maximum(y, 0.0)


def _e1_call(xim, w48, b):
    M = H1 * H1
    MB = M // 4
    return pl.pallas_call(
        _e1_body,
        grid=(B, 4),
        in_specs=[pl.BlockSpec((1, MB, 48), lambda i, j: (i, j, 0)),
                  pl.BlockSpec((48, NH // 2), lambda i, j: (0, 0)),
                  pl.BlockSpec((1, NH // 2), lambda i, j: (0, 0))],
        out_specs=pl.BlockSpec((1, MB, NH // 2), lambda i, j: (i, j, 0)),
        out_shape=jax.ShapeDtypeStruct((B, M, NH // 2), jnp.float32),
        compiler_params=pltpu.CompilerParams(
            dimension_semantics=("parallel", "parallel")),
    )(xim, w48, b)


def _e2_body(x_ref, w_ref, b_ref, o_ref):
    y = _mm(x_ref[0], w_ref[...]) + b_ref[...]
    o_ref[0] = jnp.maximum(y, 0.0)


def _e2_call(xim, w512, b2):
    return pl.pallas_call(
        _e2_body,
        grid=(B,),
        in_specs=[pl.BlockSpec((1, M2, 16 * NH // 2), lambda i: (i, 0, 0)),
                  _full((16 * NH // 2, NH)), _full((1, NH))],
        out_specs=pl.BlockSpec((1, M2, NH), lambda i: (i, 0, 0)),
        out_shape=jax.ShapeDtypeStruct((B, M2, NH), jnp.float32),
        compiler_params=_PAR,
    )(xim, w512, b2)


def _c3_body(hp_ref, w_ref, b_ref, o_ref, *, Cin):
    O = w_ref.shape[2]
    acc = jnp.zeros((M2, O), jnp.float32)
    t = 0
    for di in range(3):
        for dj in range(3):
            x = hp_ref[0, di:di + H2, dj:dj + H2, :].reshape(M2, Cin)
            acc = acc + _mm(x, w_ref[t])
            t += 1
    o_ref[0] = acc + b_ref[...]


def _c3_call(h4, w9, b, Cin, Cout):
    hp = jnp.pad(h4, ((0, 0), (1, 1), (1, 1), (0, 0)))
    body = functools.partial(_c3_body, Cin=Cin)
    return pl.pallas_call(
        body,
        grid=(B,),
        in_specs=[pl.BlockSpec((1, H2 + 2, H2 + 2, Cin),
                               lambda i: (i, 0, 0, 0)),
                  _full((9, Cin, Cout)), _full((1, Cout))],
        out_specs=pl.BlockSpec((1, M2, Cout), lambda i: (i, 0, 0)),
        out_shape=jax.ShapeDtypeStruct((B, M2, Cout), jnp.float32),
        compiler_params=_PAR,
    )(hp, w9, b)


def _res_body(hp_ref, w1_ref, b1_ref, w2_ref, b2_ref, o_ref):
    acc = jnp.zeros((M2, RH), jnp.float32)
    t = 0
    for di in range(3):
        for dj in range(3):
            x = hp_ref[0, di:di + H2, dj:dj + H2, :].reshape(M2, NH)
            acc = acc + _mm(jnp.maximum(x, 0.0), w1_ref[t])
            t += 1
    tt = jnp.maximum(acc + b1_ref[...], 0.0)
    h = hp_ref[0, 1:H2 + 1, 1:H2 + 1, :].reshape(M2, NH)
    o_ref[0] = h + _mm(tt, w2_ref[...]) + b2_ref[...]


def _res_call(h4, w1, b1, w2, b2):
    hp = jnp.pad(h4, ((0, 0), (1, 1), (1, 1), (0, 0)))
    return pl.pallas_call(
        _res_body,
        grid=(B,),
        in_specs=[pl.BlockSpec((1, H2 + 2, H2 + 2, NH),
                               lambda i: (i, 0, 0, 0)),
                  _full((9, NH, RH)), _full((1, RH)),
                  _full((RH, NH)), _full((1, NH))],
        out_specs=pl.BlockSpec((1, M2, NH), lambda i: (i, 0, 0)),
        out_shape=jax.ShapeDtypeStruct((B, M2, NH), jnp.float32),
        compiler_params=_PAR,
    )(hp, w1, b1, w2, b2)


def _vq_body(h_ref, pvw_ref, pvb_ref, cb_ref,
             idx_ref, scal_ref, cnt_ref, sq_ref):
    i = pl.program_id(0)
    h = jnp.maximum(h_ref[...], 0.0)
    f = _mm(h, pvw_ref[...]) + pvb_ref[...]
    cb = cb_ref[...]
    f2 = jnp.sum(f * f, axis=1, keepdims=True)
    c2 = jnp.sum(cb * cb, axis=1)
    dist = f2 - 2.0 * _mm(f, cb.T) + c2[None, :]
    idx = jnp.argmin(dist, axis=1).astype(jnp.int32)
    iota = jax.lax.broadcasted_iota(jnp.int32, (VQ_BLK, K), 1)
    onehot = (idx[:, None] == iota).astype(jnp.float32)
    idx_ref[0, 0] = idx
    sq = jnp.sum(jnp.min(dist, axis=1))
    cnt = jnp.sum(onehot, axis=0, keepdims=True)

    @pl.when(i == 0)
    def _():
        cnt_ref[...] = cnt
        sq_ref[0, 0] = sq

    @pl.when(i > 0)
    def _():
        cnt_ref[...] = cnt_ref[...] + cnt
        sq_ref[0, 0] = sq_ref[0, 0] + sq

    @pl.when(i == VQ_STEPS - 1)
    def _():
        n = jnp.float32(NPIX)
        p = cnt_ref[...] / n
        ent = -jnp.sum(p * jnp.log(p + 1e-10))
        loss = (1.0 + CC) * sq_ref[0, 0] / (n * D)
        lane = jax.lax.broadcasted_iota(jnp.int32, (1, 128), 1)
        scal_ref[...] = jnp.where(lane == 0, loss,
                                  jnp.where(lane == 1, jnp.exp(ent), 0.0))


def _vq_call(hflat, pvw, pvb, cb):
    return pl.pallas_call(
        _vq_body,
        grid=(VQ_STEPS,),
        in_specs=[pl.BlockSpec((VQ_BLK, NH), lambda i: (i, 0)),
                  _full((NH, D)), _full((1, D)),
                  pl.BlockSpec((K, D), lambda i: (0, 0))],
        out_specs=[pl.BlockSpec((1, 1, VQ_BLK), lambda i: (i, 0, 0)),
                   pl.BlockSpec((1, 128), lambda i: (0, 0))],
        out_shape=[jax.ShapeDtypeStruct((VQ_STEPS, 1, VQ_BLK), jnp.int32),
                   jax.ShapeDtypeStruct((1, 128), jnp.float32)],
        scratch_shapes=[pltpu.VMEM((1, K), jnp.float32),
                        pltpu.SMEM((1, 1), jnp.float32)],
    )(hflat, pvw, pvb, cb)


def _sc_gather_body(cb_hbm, idx_hbm, out_hbm, idx_v, rows_v, sem):
    wid = lax.axis_index("s") * 2 + lax.axis_index("c")
    base = wid * SC_CHUNK
    pltpu.sync_copy(idx_hbm.at[pl.ds(base, SC_CHUNK)], idx_v)
    pltpu.async_copy(cb_hbm.at[idx_v], rows_v, sem).wait()
    pltpu.sync_copy(rows_v, out_hbm.at[pl.ds(base, SC_CHUNK)])


def _sc_gather(cb128, idx):
    mesh = plsc.VectorSubcoreMesh(core_axis_name="c", subcore_axis_name="s")
    f = functools.partial(
        pl.kernel, mesh=mesh,
        out_type=jax.ShapeDtypeStruct((NPIX, 128), jnp.float32),
        scratch_types=[pltpu.VMEM((SC_CHUNK,), jnp.int32),
                       pltpu.VMEM((SC_CHUNK, 128), jnp.float32),
                       pltpu.SemaphoreType.DMA],
    )(_sc_gather_body)
    return f(cb128, idx)


def _dtc_body(x_ref, w_ref, b_ref, o_ref, *, relu_in, relu_out):
    x = x_ref[0]
    if relu_in:
        x = jnp.maximum(x, 0.0)
    y = _mm(x, w_ref[...]) + b_ref[...]
    if relu_out:
        y = jnp.maximum(y, 0.0)
    o_ref[0] = y


def _dtc_call(xim, w4, b4, Hin, Cin, Cout, relu_in, relu_out, msplit):
    M = Hin * Hin
    MB = M // msplit
    body = functools.partial(_dtc_body, relu_in=relu_in, relu_out=relu_out)
    return pl.pallas_call(
        body,
        grid=(B, msplit),
        in_specs=[pl.BlockSpec((1, MB, 9 * Cin), lambda i, j: (i, j, 0)),
                  pl.BlockSpec((9 * Cin, 4 * Cout), lambda i, j: (0, 0)),
                  pl.BlockSpec((1, 4 * Cout), lambda i, j: (0, 0))],
        out_specs=pl.BlockSpec((1, MB, 4 * Cout), lambda i, j: (i, j, 0)),
        out_shape=jax.ShapeDtypeStruct((B, M, 4 * Cout), jnp.float32),
        compiler_params=pltpu.CompilerParams(
            dimension_semantics=("parallel", "parallel")),
    )(xim, w4, b4)



def _dt1_body(hp_ref, w_ref, b_ref, o_ref):
    j = pl.program_id(1)
    RB = H2 // 4
    acc = jnp.zeros((RB * H2, 4 * (NH // 2)), jnp.float32)
    t = 0
    for di in range(3):
        for dj in range(3):
            x = hp_ref[0, pl.ds(RB * j + di, RB), pl.ds(dj, H2), :]
            x = jnp.maximum(x.reshape(RB * H2, NH), 0.0)
            acc = acc + _mm(x, w_ref[t])
            t += 1
    o_ref[0] = jnp.maximum(acc + b_ref[...], 0.0)


def _dt1_call(hp, w9, b4):
    RB = H2 // 4
    return pl.pallas_call(
        _dt1_body,
        grid=(B, 4),
        in_specs=[pl.BlockSpec((1, H2 + 2, H2 + 2, NH),
                               lambda i, j: (i, 0, 0, 0)),
                  pl.BlockSpec((9, NH, 4 * (NH // 2)), lambda i, j: (0, 0, 0)),
                  pl.BlockSpec((1, 4 * (NH // 2)), lambda i, j: (0, 0))],
        out_specs=pl.BlockSpec((1, RB * H2, 4 * (NH // 2)),
                               lambda i, j: (i, j, 0)),
        out_shape=jax.ShapeDtypeStruct((B, M2, 4 * (NH // 2)), jnp.float32),
        compiler_params=pltpu.CompilerParams(
            dimension_semantics=("parallel", "arbitrary")),
    )(hp, w9, b4)


def _dt2_body(hp_ref, w_ref, b_ref, o_ref):
    j = pl.program_id(1)
    RB = H1 // 8
    acc = jnp.zeros((RB * H1, 32), jnp.float32)
    t = 0
    for di in range(3):
        for dj in range(3):
            x = hp_ref[0, pl.ds(RB * j + di, RB), pl.ds(dj, H1), :]
            acc = acc + _mm(x.reshape(RB * H1, NH // 2), w_ref[t])
            t += 1
    o_ref[0] = acc + b_ref[...]


def _dt2_call(hp, w9, b4):
    RB = H1 // 8
    return pl.pallas_call(
        _dt2_body,
        grid=(B, 8),
        in_specs=[pl.BlockSpec((1, H1 + 2, H1 + 2, NH // 2),
                               lambda i, j: (i, 0, 0, 0)),
                  pl.BlockSpec((9, NH // 2, 32), lambda i, j: (0, 0, 0)),
                  pl.BlockSpec((1, 32), lambda i, j: (0, 0))],
        out_specs=pl.BlockSpec((1, RB * H1, 32), lambda i, j: (i, j, 0)),
        out_shape=jax.ShapeDtypeStruct((B, H1 * H1, 32), jnp.float32),
        compiler_params=pltpu.CompilerParams(
            dimension_semantics=("parallel", "arbitrary")),
    )(hp, w9, b4)


def _imcol3(h4):
    Bn, H, W, C = h4.shape
    hp = jnp.pad(h4, ((0, 0), (1, 1), (1, 1), (0, 0)))
    cols = [hp[:, di:di + H, dj:dj + W, :] for di in range(3)
            for dj in range(3)]
    return jnp.concatenate(cols, axis=-1).reshape(Bn, H * W, 9 * C)


def _dtc_weights(w, Cout_pad):
    O, I = w.shape[0], w.shape[1]
    w4 = jnp.zeros((9, I, 4, Cout_pad), jnp.float32)
    for r in range(2):
        for s in range(2):
            for a in range(2):
                for bb in range(2):
                    t = (r + a) * 3 + (s + bb)
                    blk = w[:, :, 2 * a + r, 2 * bb + s].T
                    if Cout_pad != O:
                        blk = jnp.pad(blk, ((0, 0), (0, Cout_pad - O)))
                    w4 = w4.at[t, :, r * 2 + s, :].set(blk)
    return w4.reshape(9 * I, 4 * Cout_pad)


def _tap16(w):
    mats = []
    for pp in range(2):
        for q in range(2):
            for a in range(2):
                for bb in range(2):
                    mats.append(w[:, :, 2 * a + pp, 2 * bb + q].T)
    return jnp.stack(mats, axis=0)


def _tap9(w):
    return jnp.stack([w[:, :, di, dj].T for di in range(3)
                      for dj in range(3)], axis=0)


def _parity4(h):
    Bn, H, W, C = h.shape
    hp = jnp.pad(h, ((0, 0), (1, 1), (1, 1), (0, 0)))
    s = hp.reshape(Bn, (H + 2) // 2, 2, (W + 2) // 2, 2, C)
    s = jnp.transpose(s, (0, 2, 4, 1, 3, 5))
    return s.reshape(Bn, 4, (H + 2) // 2, (W + 2) // 2, C)


def _interleave(par, Hh, Cc):
    p = par.reshape(B, Hh, Hh, 2, 2, Cc)
    p = jnp.transpose(p, (0, 1, 3, 2, 4, 5))
    return p.reshape(B, 2 * Hh, 2 * Hh, Cc)


def kernel(x, params):
    p = params
    xn = jnp.transpose(x, (0, 2, 3, 1))

    xp = jnp.pad(xn, ((0, 0), (1, 1), (1, 1), (0, 0)))
    sub = xp.reshape(B, 113, 2, 113, 2, IC)
    cols = []
    for pp in range(2):
        for q in range(2):
            for a in range(2):
                for bb in range(2):
                    cols.append(sub[:, a:a + H1, pp, bb:bb + H1, q, :])
    xim = jnp.concatenate(cols, axis=-1).reshape(B, H1 * H1, 16 * IC)
    w48 = _tap16(p['e1w']).reshape(16 * IC, NH // 2)
    h1 = _e1_call(xim, w48, p['e1b'].reshape(1, -1))

    sub1 = _parity4(h1.reshape(B, H1, H1, NH // 2))
    cols = []
    for pq in range(4):
        for a in range(2):
            for bb in range(2):
                cols.append(sub1[:, pq, a:a + H2, bb:bb + H2, :])
    xim2 = jnp.concatenate(cols, axis=-1).reshape(B, M2, 16 * NH // 2)
    w512 = _tap16(p['e2w']).reshape(16 * NH // 2, NH)
    h = _e2_call(xim2, w512, p['e2b'].reshape(1, -1))
    h = _c3_call(h.reshape(B, H2, H2, NH), _tap9(p['e3w']),
                 p['e3b'].reshape(1, -1), NH, NH)
    for l in range(RL):
        h = _res_call(h.reshape(B, H2, H2, NH), _tap9(p[f'er{l}w1']),
                      p[f'er{l}b1'].reshape(1, -1),
                      p[f'er{l}w2'][:, :, 0, 0].T, p[f'er{l}b2'].reshape(1, -1))

    idx3, scal = _vq_call(h.reshape(NPIX, NH),
                          p['pvw'][:, :, 0, 0].T,
                          p['pvb'].reshape(1, -1), p['cb'])
    idx = idx3.reshape(NPIX)
    cb128 = jnp.pad(p['cb'], ((0, 0), (0, 128 - D)))
    qflat = _sc_gather(cb128, idx)[:, :D]
    vq_loss = scal[0, 0]
    perplexity = scal[0, 1]

    h = _c3_call(qflat.reshape(B, H2, H2, D), _tap9(p['d1w']),
                 p['d1b'].reshape(1, -1), D, NH)
    for l in range(RL):
        h = _res_call(h.reshape(B, H2, H2, NH), _tap9(p[f'dr{l}w1']),
                      p[f'dr{l}b1'].reshape(1, -1),
                      p[f'dr{l}w2'][:, :, 0, 0].T, p[f'dr{l}b2'].reshape(1, -1))

    hp1 = jnp.pad(h.reshape(B, H2, H2, NH),
                  ((0, 0), (1, 1), (1, 1), (0, 0)))
    wq1 = _dtc_weights(p['dt1w'], NH // 2).reshape(9, NH, 4 * (NH // 2))
    bq1 = jnp.tile(p['dt1b'], (4,)).reshape(1, 4 * NH // 2)
    par1 = _dt1_call(hp1, wq1, bq1)
    up1 = _interleave(par1, H2, NH // 2)

    hp2 = jnp.pad(up1, ((0, 0), (1, 1), (1, 1), (0, 0)))
    wq2 = _dtc_weights(p['dt2w'], 8).reshape(9, NH // 2, 32)
    bq2 = jnp.tile(jnp.pad(p['dt2b'], (0, 5)), (4,)).reshape(1, 32)
    par2 = _dt2_call(hp2, wq2, bq2)
    recon = _interleave(par2, H1, 8)[..., :IC]
    x_recon = jnp.transpose(recon, (0, 3, 1, 2))

    return x_recon, vq_loss, perplexity, idx

# --- scband reference (transcript-rebuilt; emitter-appended) ---
"""Pipeline reference for scband-vision-model-31044023615602 (READ-ONLY COPY).

The authoritative reference and input builder live on the scoring server;
editing this copy changes nothing except your own understanding.
"""

import jax, jax.numpy as jnp
import numpy as np

NH = 64     # num_hidden
RL = 2      # res_layer
RH = 32     # res_hidden
IC = 3      # input_channels
K = 1024    # num_embedding
D = 64      # embedding_dim
CC = 0.25   # commitment_cost
B = 8
HW = 224


def setup_inputs(seed: int = 0) -> dict:
    key = jax.random.key(seed)
    c = [0]
    def nx(shape):
        c[0] += 1
        return jax.random.normal(jax.random.fold_in(key, c[0]), shape, dtype=jnp.float32) * 0.05
    x = jax.random.normal(jax.random.fold_in(key, 0), (B, IC, HW, HW), dtype=jnp.float32)
    p = {}
    # encoder
    p['e1w'] = nx((NH // 2, IC, 4, 4)); p['e1b'] = nx((NH // 2,))
    p['e2w'] = nx((NH, NH // 2, 4, 4)); p['e2b'] = nx((NH,))
    p['e3w'] = nx((NH, NH, 3, 3)); p['e3b'] = nx((NH,))
    for l in range(RL):
        p[f'er{l}w1'] = nx((RH, NH, 3, 3)); p[f'er{l}b1'] = nx((RH,))
        p[f'er{l}w2'] = nx((NH, RH, 1, 1)); p[f'er{l}b2'] = nx((NH,))
    # pre-VQ projection and codebook
    p['pvw'] = nx((D, NH, 1, 1)); p['pvb'] = nx((D,))
    p['cb'] = nx((K, D))
    # decoder
    p['d1w'] = nx((NH, D, 3, 3)); p['d1b'] = nx((NH,))
    for l in range(RL):
        p[f'dr{l}w1'] = nx((RH, NH, 3, 3)); p[f'dr{l}b1'] = nx((RH,))
        p[f'dr{l}w2'] = nx((NH, RH, 1, 1)); p[f'dr{l}b2'] = nx((NH,))
    p['dt1w'] = nx((NH // 2, NH, 4, 4)); p['dt1b'] = nx((NH // 2,))
    p['dt2w'] = nx((IC, NH // 2, 4, 4)); p['dt2b'] = nx((IC,))
    return {'x': x, 'params': p}


def _conv(x, w, b, s, pad):
    y = jax.lax.conv_general_dilated(x, w, (s, s), [(pad, pad), (pad, pad)],
                                     dimension_numbers=('NCHW', 'OIHW', 'NCHW'))
    return y + b[None, :, None, None]


def _convT(x, w, b):
    y = jax.lax.conv_transpose(x, w, (2, 2), 'SAME',
                               dimension_numbers=('NCHW', 'OIHW', 'NCHW'))
    return y + b[None, :, None, None]


def _res_stack(h, p, pre):
    for l in range(RL):
        t = jax.nn.relu(h)
        t = _conv(t, p[f'{pre}{l}w1'], p[f'{pre}{l}b1'], 1, 1)
        t = jax.nn.relu(t)
        t = _conv(t, p[f'{pre}{l}w2'], p[f'{pre}{l}b2'], 1, 0)
        h = h + t
    return jax.nn.relu(h)


def _vq(z, cb):
    Bz, Dz, Hz, Wz = z.shape
    flat = jnp.transpose(z, (0, 2, 3, 1)).reshape(-1, Dz)
    dist = (jnp.sum(flat ** 2, axis=1, keepdims=True)
            - 2.0 * flat @ cb.T
            + jnp.sum(cb ** 2, axis=1)[None, :])
    idx = jnp.argmin(dist, axis=1)
    qf = jnp.take(cb, idx, axis=0)
    q = jnp.transpose(qf.reshape(Bz, Hz, Wz, Dz), (0, 3, 1, 2))
    e_latent = jnp.mean((jax.lax.stop_gradient(q) - z) ** 2)
    q_latent = jnp.mean((q - jax.lax.stop_gradient(z)) ** 2)
    vq_loss = q_latent + CC * e_latent
    q_st = z + jax.lax.stop_gradient(q - z)
    counts = jnp.bincount(idx, length=K)
    probs = counts.astype(jnp.float32) / idx.shape[0]
    perplexity = jnp.exp(-jnp.sum(probs * jnp.log(probs + 1e-10)))
    return q_st, vq_loss, perplexity, idx


def _forward(x, p):
    h = jax.nn.relu(_conv(x, p['e1w'], p['e1b'], 2, 1))
    h = jax.nn.relu(_conv(h, p['e2w'], p['e2b'], 2, 1))
    h = _conv(h, p['e3w'], p['e3b'], 1, 1)
    h = _res_stack(h, p, 'er')
    z = _conv(h, p['pvw'], p['pvb'], 1, 0)
    q, vq_loss, perplexity, idx = _vq(z, p['cb'])
    h = _conv(q, p['d1w'], p['d1b'], 1, 1)
    h = _res_stack(h, p, 'dr')
    h = jax.nn.relu(_convT(h, p['dt1w'], p['dt1b']))
    x_recon = _convT(h, p['dt2w'], p['dt2b'])
    return x_recon, vq_loss, perplexity, idx


def reference(x, params):
    x_recon, vq_loss, perplexity, encoding_indices = _forward(x, params)
    return x_recon, vq_loss, perplexity, encoding_indices

if __name__ == "__main__":
    import jax
    _d = setup_inputs()
    print(jax.jit(kernel)(*tuple(_d.values())))

</pallas_src>

<mosaic_0001>
#map = affine_map<(d0, d1) -> (0, 0)>
#map1 = affine_map<(d0, d1) -> (0)>
module attributes {stable_mosaic.version = 14 : i64} {
  func.func @_sc_gather_body(%arg0: i32, %arg1: i32, %arg2: memref<1024x128xf32, #tpu.memory_space<hbm>>, %arg3: memref<25088xi32, #tpu.memory_space<hbm>>, %arg4: memref<25088x128xf32, #tpu.memory_space<hbm>>, %arg5: memref<784xi32, #tpu.memory_space<vmem>>, %arg6: memref<784x128xf32, #tpu.memory_space<vmem>>, %arg7: memref<!tpu.dma_semaphore, #tpu.memory_space<semaphore_mem>>) attributes {dimension_semantics = [#tpu.dimension_semantics<core_parallel>, #tpu.dimension_semantics<subcore_parallel>], iteration_bounds = array<i64: 2, 16>, scalar_prefetch = 0 : i64, scratch_operands = 3 : i64, tpu.core_type = #tpu.core_type<sc_vector_subcore>, window_params = [{transform_indices = #map}, {transform_indices = #map1}, {transform_indices = #map}]} {
    %mul3A = arith.constant 2 : i32
    %mul3A_0 = arith.muli %arg1, %mul3A : i32
    %add3A = arith.addi %mul3A_0, %arg0 : i32
    %mul3A_1 = arith.constant 784 : i32
    %mul3A_2 = arith.muli %add3A, %mul3A_1 : i32
    "tpu.region"() ({
      %run_scoped3A = tpu.sem_alloc : memref<!tpu.dma_semaphore, #tpu.memory_space<semaphore_mem>>
      %dma_start3A_7 = tpu.memref_slice %arg3[%mul3A_2] : memref<25088xi32, #tpu.memory_space<hbm>> -> memref<784xi32, #tpu.memory_space<hbm>>
      %dma_start3A_8 = tpu.memref_slice %arg3[%mul3A_2] : memref<25088xi32, #tpu.memory_space<hbm>> -> memref<784xi32, #tpu.memory_space<hbm>>
      tpu.enqueue_dma source(%dma_start3A_8 : memref<784xi32, #tpu.memory_space<hbm>>) target(%arg5 : memref<784xi32, #tpu.memory_space<vmem>>) target_semaphore(%run_scoped3A : memref<!tpu.dma_semaphore, #tpu.memory_space<semaphore_mem>>)
      %dma_wait3A_9 = tpu.memref_slice %arg3[%mul3A_2] : memref<25088xi32, #tpu.memory_space<hbm>> -> memref<784xi32, #tpu.memory_space<hbm>>
      %dma_wait3A_10 = tpu.memref_slice %arg3[%mul3A_2] : memref<25088xi32, #tpu.memory_space<hbm>> -> memref<784xi32, #tpu.memory_space<hbm>>
      tpu.wait_dma2 semaphore(%run_scoped3A : memref<!tpu.dma_semaphore, #tpu.memory_space<semaphore_mem>>) src(%dma_wait3A_10 : memref<784xi32, #tpu.memory_space<hbm>>) dst(%arg5 : memref<784xi32, #tpu.memory_space<vmem>>)
      tpu.yield
    }) : () -> ()
    %dma_start3A = arith.constant 0 : i32
    %dma_start3A_3 = arith.constant 0 : i32
    %dma_start3A_4 = tpu.memref_slice %arg2[%dma_start3A, %dma_start3A_3] : memref<1024x128xf32, #tpu.memory_space<hbm>> -> memref<1024x128xf32, #tpu.memory_space<hbm>>
    tpu.enqueue_indirect_dma source(%dma_start3A_4 : memref<1024x128xf32, #tpu.memory_space<hbm>>) target(%arg6 : memref<784x128xf32, #tpu.memory_space<vmem>>) offsets(%arg5 : memref<784xi32, #tpu.memory_space<vmem>>) semaphore(%arg7 : memref<!tpu.dma_semaphore, #tpu.memory_space<semaphore_mem>>)
    %dma_wait3A = arith.constant 0 : i32
    %dma_wait3A_5 = arith.constant 0 : i32
    %dma_wait3A_6 = tpu.memref_slice %arg2[%dma_wait3A, %dma_wait3A_5] : memref<1024x128xf32, #tpu.memory_space<hbm>> -> memref<1024x128xf32, #tpu.memory_space<hbm>>
    tpu.wait_indirect_dma semaphore(%arg7 : memref<!tpu.dma_semaphore, #tpu.memory_space<semaphore_mem>>) src(%dma_wait3A_6 : memref<1024x128xf32, #tpu.memory_space<hbm>>) dst(%arg6 : memref<784x128xf32, #tpu.memory_space<vmem>>)
    "tpu.region"() ({
      %run_scoped3A = tpu.sem_alloc : memref<!tpu.dma_semaphore, #tpu.memory_space<semaphore_mem>>
      %dma_start3A_7 = arith.constant 0 : i32
      %dma_start3A_8 = tpu.memref_slice %arg4[%mul3A_2, %dma_start3A_7] : memref<25088x128xf32, #tpu.memory_space<hbm>> -> memref<784x128xf32, #tpu.memory_space<hbm>>
      %dma_start3A_9 = arith.constant 0 : i32
      %dma_start3A_10 = tpu.memref_slice %arg4[%mul3A_2, %dma_start3A_9] : memref<25088x128xf32, #tpu.memory_space<hbm>> -> memref<784x128xf32, #tpu.memory_space<hbm>>
      tpu.enqueue_dma source(%arg6 : memref<784x128xf32, #tpu.memory_space<vmem>>) target(%dma_start3A_10 : memref<784x128xf32, #tpu.memory_space<hbm>>) target_semaphore(%run_scoped3A : memref<!tpu.dma_semaphore, #tpu.memory_space<semaphore_mem>>)
      %dma_wait3A_11 = arith.constant 0 : i32
      %dma_wait3A_12 = tpu.memref_slice %arg4[%mul3A_2, %dma_wait3A_11] : memref<25088x128xf32, #tpu.memory_space<hbm>> -> memref<784x128xf32, #tpu.memory_space<hbm>>
      %dma_wait3A_13 = arith.constant 0 : i32
      %dma_wait3A_14 = tpu.memref_slice %arg4[%mul3A_2, %dma_wait3A_13] : memref<25088x128xf32, #tpu.memory_space<hbm>> -> memref<784x128xf32, #tpu.memory_space<hbm>>
      tpu.wait_dma2 semaphore(%run_scoped3A : memref<!tpu.dma_semaphore, #tpu.memory_space<semaphore_mem>>) src(%arg6 : memref<784x128xf32, #tpu.memory_space<vmem>>) dst(%dma_wait3A_14 : memref<784x128xf32, #tpu.memory_space<hbm>>)
      tpu.yield
    }) : () -> ()
    return
  }
}

module attributes {stable_mosaic.version = 14 : i64} {
  func.func @_e1_body(%arg0: i32, %arg1: i32, %arg2: memref<1x3136x48xf32, #tpu.memory_space<vmem>>, %arg3: memref<48x32xf32, #tpu.memory_space<vmem>>, %arg4: memref<1x32xf32, #tpu.memory_space<vmem>>, %arg5: memref<1x3136x32xf32, #tpu.memory_space<vmem>>) attributes {dimension_semantics = [#tpu.dimension_semantics<parallel>, #tpu.dimension_semantics<parallel>], iteration_bounds = array<i64: 8, 4>, scalar_prefetch = 0 : i64, scratch_operands = 0 : i64, tpu.core_type = #tpu.core_type<tc>, window_params = [{transform_indices = @transform_0, window_bounds = array<i64: 1, 3136, 48>}, {pipeline_mode = #tpu.pipeline_mode<synchronous>, transform_indices = @transform_1, window_bounds = array<i64: 48, 32>}, {pipeline_mode = #tpu.pipeline_mode<synchronous>, transform_indices = @transform_2, window_bounds = array<i64: 1, 32>}, {transform_indices = @transform_3, window_bounds = array<i64: 1, 3136, 32>}]} {
    %get3A = arith.constant 0 : index
    %get3A_0 = arith.constant 0 : index
    %get3A_1 = arith.constant 0 : index
    %get3A_2 = vector.load %arg2[%get3A, %get3A_0, %get3A_1] : memref<1x3136x48xf32, #tpu.memory_space<vmem>>, vector<1x3136x48xf32>
    %get3A_3 = vector.shape_cast %get3A_2 : vector<1x3136x48xf32> to vector<3136x48xf32>
    %get3A_4 = arith.constant 0 : index
    %get3A_5 = arith.constant 0 : index
    %get3A_6 = vector.load %arg3[%get3A_4, %get3A_5] : memref<48x32xf32, #tpu.memory_space<vmem>>, vector<48x32xf32>
    %dot_general3A = arith.constant dense<0.000000e+00> : vector<3136x32xf32>
    %dot_general3A_7 = tpu.matmul %get3A_3, %get3A_6, %dot_general3A {dimension_numbers = #tpu.dot_dimension_numbers<[1], [0], [0], [1], [0, 0, 1, 1], [], []>, transpose_lhs_hint = false} : vector<3136x48xf32>, vector<48x32xf32>, vector<3136x32xf32> -> vector<3136x32xf32>
    %get3A_8 = arith.constant 0 : index
    %get3A_9 = arith.constant 0 : index
    %get3A_10 = vector.load %arg4[%get3A_8, %get3A_9] : memref<1x32xf32, #tpu.memory_space<vmem>>, vector<1x32xf32>
    %add3A = vector.broadcast %get3A_10 : vector<1x32xf32> to vector<3136x32xf32>
    %add3A_11 = arith.addf %dot_general3A_7, %add3A : vector<3136x32xf32>
    %max3A = arith.constant 0.000000e+00 : f32
    %max3A_12 = vector.broadcast %max3A : f32 to vector<3136x32xf32>
    %max3A_13 = arith.maximumf %add3A_11, %max3A_12 : vector<3136x32xf32>
    %swap3A = arith.constant 0 : index
    %swap3A_14 = arith.constant 0 : index
    %swap3A_15 = arith.constant 0 : index
    %swap3A_16 = vector.load %arg5[%swap3A, %swap3A_14, %swap3A_15] : memref<1x3136x32xf32, #tpu.memory_space<vmem>>, vector<1x3136x32xf32>
    %swap3A_17 = vector.shape_cast %swap3A_16 : vector<1x3136x32xf32> to vector<3136x32xf32>
    %swap3A_18 = vector.shape_cast %max3A_13 : vector<3136x32xf32> to vector<1x3136x32xf32>
    tpu.vector_store %arg5[%swap3A, %swap3A_14, %swap3A_15], %swap3A_18 {strides = array<i32>} : memref<1x3136x32xf32, #tpu.memory_space<vmem>>, vector<1x3136x32xf32>,
    return
  }
  func.func @transform_0(%arg0: i32, %arg1: i32) -> (i32, i32, i32) {
    %c0_i32 = arith.constant 0 : i32
    %c0_i32_0 = arith.constant 0 : i32
    return %arg0, %arg1, %c0_i32 : i32, i32, i32
  }
  func.func @transform_1(%arg0: i32, %arg1: i32) -> (i32, i32) {
    %c0_i32 = arith.constant 0 : i32
    %c0_i32_0 = arith.constant 0 : i32
    %c0_i32_1 = arith.constant 0 : i32
    return %c0_i32, %c0_i32_0 : i32, i32
  }
  func.func @transform_2(%arg0: i32, %arg1: i32) -> (i32, i32) {
    %c0_i32 = arith.constant 0 : i32
    %c0_i32_0 = arith.constant 0 : i32
    %c0_i32_1 = arith.constant 0 : i32
    return %c0_i32, %c0_i32_0 : i32, i32
  }
  func.func @transform_3(%arg0: i32, %arg1: i32) -> (i32, i32, i32) {
    %c0_i32 = arith.constant 0 : i32
    %c0_i32_0 = arith.constant 0 : i32
    return %arg0, %arg1, %c0_i32 : i32, i32, i32
  }
}

module attributes {stable_mosaic.version = 14 : i64} {
  func.func @_e2_body(%arg0: i32, %arg1: memref<1x3136x512xf32, #tpu.memory_space<vmem>>, %arg2: memref<512x64xf32, #tpu.memory_space<vmem>>, %arg3: memref<1x64xf32, #tpu.memory_space<vmem>>, %arg4: memref<1x3136x64xf32, #tpu.memory_space<vmem>>) attributes {dimension_semantics = [#tpu.dimension_semantics<parallel>], iteration_bounds = array<i64: 8>, scalar_prefetch = 0 : i64, scratch_operands = 0 : i64, tpu.core_type = #tpu.core_type<tc>, window_params = [{transform_indices = @transform_0, window_bounds = array<i64: 1, 3136, 512>}, {pipeline_mode = #tpu.pipeline_mode<synchronous>, transform_indices = @transform_1, window_bounds = array<i64: 512, 64>}, {pipeline_mode = #tpu.pipeline_mode<synchronous>, transform_indices = @transform_2, window_bounds = array<i64: 1, 64>}, {transform_indices = @transform_3, window_bounds = array<i64: 1, 3136, 64>}]} {
    %get3A = arith.constant 0 : index
    %get3A_0 = arith.constant 0 : index
    %get3A_1 = arith.constant 0 : index
    %get3A_2 = vector.load %arg1[%get3A, %get3A_0, %get3A_1] : memref<1x3136x512xf32, #tpu.memory_space<vmem>>, vector<1x3136x512xf32>
    %get3A_3 = vector.shape_cast %get3A_2 : vector<1x3136x512xf32> to vector<3136x512xf32>
    %get3A_4 = arith.constant 0 : index
    %get3A_5 = arith.constant 0 : index
    %get3A_6 = vector.load %arg2[%get3A_4, %get3A_5] : memref<512x64xf32, #tpu.memory_space<vmem>>, vector<512x64xf32>
    %dot_general3A = arith.constant dense<0.000000e+00> : vector<3136x64xf32>
    %dot_general3A_7 = tpu.matmul %get3A_3, %get3A_6, %dot_general3A {dimension_numbers = #tpu.dot_dimension_numbers<[1], [0], [0], [1], [0, 0, 1, 1], [], []>, transpose_lhs_hint = false} : vector<3136x512xf32>, vector<512x64xf32>, vector<3136x64xf32> -> vector<3136x64xf32>
    %get3A_8 = arith.constant 0 : index
    %get3A_9 = arith.constant 0 : index
    %get3A_10 = vector.load %arg3[%get3A_8, %get3A_9] : memref<1x64xf32, #tpu.memory_space<vmem>>, vector<1x64xf32>
    %add3A = vector.broadcast %get3A_10 : vector<1x64xf32> to vector<3136x64xf32>
    %add3A_11 = arith.addf %dot_general3A_7, %add3A : vector<3136x64xf32>
    %max3A = arith.constant 0.000000e+00 : f32
    %max3A_12 = vector.broadcast %max3A : f32 to vector<3136x64xf32>
    %max3A_13 = arith.maximumf %add3A_11, %max3A_12 : vector<3136x64xf32>
    %swap3A = arith.constant 0 : index
    %swap3A_14 = arith.constant 0 : index
    %swap3A_15 = arith.constant 0 : index
    %swap3A_16 = vector.load %arg4[%swap3A, %swap3A_14, %swap3A_15] : memref<1x3136x64xf32, #tpu.memory_space<vmem>>, vector<1x3136x64xf32>
    %swap3A_17 = vector.shape_cast %swap3A_16 : vector<1x3136x64xf32> to vector<3136x64xf32>
    %swap3A_18 = vector.shape_cast %max3A_13 : vector<3136x64xf32> to vector<1x3136x64xf32>
    tpu.vector_store %arg4[%swap3A, %swap3A_14, %swap3A_15], %swap3A_18 {strides = array<i32>} : memref<1x3136x64xf32, #tpu.memory_space<vmem>>, vector<1x3136x64xf32>,
    return
  }
  func.func @transform_0(%arg0: i32) -> (i32, i32, i32) {
    %c0_i32 = arith.constant 0 : i32
    %c0_i32_0 = arith.constant 0 : i32
    %c0_i32_1 = arith.constant 0 : i32
    return %arg0, %c0_i32, %c0_i32_0 : i32, i32, i32
  }
  func.func @transform_1(%arg0: i32) -> (i32, i32) {
    %c0_i32 = arith.constant 0 : i32
    %c0_i32_0 = arith.constant 0 : i32
    %c0_i32_1 = arith.constant 0 : i32
    return %c0_i32, %c0_i32_0 : i32, i32
  }
  func.func @transform_2(%arg0: i32) -> (i32, i32) {
    %c0_i32 = arith.constant 0 : i32
    %c0_i32_0 = arith.constant 0 : i32
    %c0_i32_1 = arith.constant 0 : i32
    return %c0_i32, %c0_i32_0 : i32, i32
  }
  func.func @transform_3(%arg0: i32) -> (i32, i32, i32) {
    %c0_i32 = arith.constant 0 : i32
    %c0_i32_0 = arith.constant 0 : i32
    %c0_i32_1 = arith.constant 0 : i32
    return %arg0, %c0_i32, %c0_i32_0 : i32, i32, i32
  }
}

module attributes {stable_mosaic.version = 14 : i64} {
  func.func @_c3_body(%arg0: i32, %arg1: memref<1x58x58x64xf32, #tpu.memory_space<vmem>>, %arg2: memref<9x64x64xf32, #tpu.memory_space<vmem>>, %arg3: memref<1x64xf32, #tpu.memory_space<vmem>>, %arg4: memref<1x3136x64xf32, #tpu.memory_space<vmem>>) attributes {dimension_semantics = [#tpu.dimension_semantics<parallel>], iteration_bounds = array<i64: 8>, scalar_prefetch = 0 : i64, scratch_operands = 0 : i64, tpu.core_type = #tpu.core_type<tc>, window_params = [{transform_indices = @transform_0, window_bounds = array<i64: 1, 58, 58, 64>}, {pipeline_mode = #tpu.pipeline_mode<synchronous>, transform_indices = @transform_1, window_bounds = array<i64: 9, 64, 64>}, {pipeline_mode = #tpu.pipeline_mode<synchronous>, transform_indices = @transform_2, window_bounds = array<i64: 1, 64>}, {transform_indices = @transform_3, window_bounds = array<i64: 1, 3136, 64>}]} {
    %broadcast_in_dim3A = arith.constant 0.000000e+00 : f32
    %broadcast_in_dim3A_0 = vector.broadcast %broadcast_in_dim3A : f32 to vector<3136x64xf32>
    %get3A = arith.constant 0 : index
    %get3A_1 = arith.constant 0 : index
    %get3A_2 = arith.constant 0 : index
    %get3A_3 = arith.constant 0 : index
    %get3A_4 = vector.load %arg1[%get3A, %get3A_1, %get3A_2, %get3A_3] : memref<1x58x58x64xf32, #tpu.memory_space<vmem>>, vector<1x56x56x64xf32>
    %get3A_5 = vector.shape_cast %get3A_4 : vector<1x56x56x64xf32> to vector<56x56x64xf32>
    %reshape3A = vector.shape_cast %get3A_5 : vector<56x56x64xf32> to vector<3136x64xf32>
    %get3A_6 = arith.constant 0 : index
    %get3A_7 = arith.constant 0 : index
    %get3A_8 = arith.constant 0 : index
    %get3A_9 = vector.load %arg2[%get3A_6, %get3A_7, %get3A_8] : memref<9x64x64xf32, #tpu.memory_space<vmem>>, vector<1x64x64xf32>
    %get3A_10 = vector.shape_cast %get3A_9 : vector<1x64x64xf32> to vector<64x64xf32>
    %dot_general3A = arith.constant dense<0.000000e+00> : vector<3136x64xf32>
    %dot_general3A_11 = tpu.matmul %reshape3A, %get3A_10, %dot_general3A {dimension_numbers = #tpu.dot_dimension_numbers<[1], [0], [0], [1], [0, 0, 1, 1], [], []>, transpose_lhs_hint = false} : vector<3136x64xf32>, vector<64x64xf32>, vector<3136x64xf32> -> vector<3136x64xf32>
    %add3A = arith.addf %broadcast_in_dim3A_0, %dot_general3A_11 : vector<3136x64xf32>
    %get3A_12 = arith.constant 0 : index
    %get3A_13 = arith.constant 0 : index
    %get3A_14 = arith.constant 1 : index
    %get3A_15 = arith.constant 0 : index
    %get3A_16 = vector.load %arg1[%get3A_12, %get3A_13, %get3A_14, %get3A_15] : memref<1x58x58x64xf32, #tpu.memory_space<vmem>>, vector<1x56x56x64xf32>
    %get3A_17 = vector.shape_cast %get3A_16 : vector<1x56x56x64xf32> to vector<56x56x64xf32>
    %reshape3A_18 = vector.shape_cast %get3A_17 : vector<56x56x64xf32> to vector<3136x64xf32>
    %get3A_19 = arith.constant 1 : index
    %get3A_20 = arith.constant 0 : index
    %get3A_21 = arith.constant 0 : index
    %get3A_22 = vector.load %arg2[%get3A_19, %get3A_20, %get3A_21] : memref<9x64x64xf32, #tpu.memory_space<vmem>>, vector<1x64x64xf32>
    %get3A_23 = vector.shape_cast %get3A_22 : vector<1x64x64xf32> to vector<64x64xf32>
    %dot_general3A_24 = arith.constant dense<0.000000e+00> : vector<3136x64xf32>
    %dot_general3A_25 = tpu.matmul %reshape3A_18, %get3A_23, %dot_general3A_24 {dimension_numbers = #tpu.dot_dimension_numbers<[1], [0], [0], [1], [0, 0, 1, 1], [], []>, transpose_lhs_hint = false} : vector<3136x64xf32>, vector<64x64xf32>, vector<3136x64xf32> -> vector<3136x64xf32>
    %add3A_26 = arith.addf %add3A, %dot_general3A_25 : vector<3136x64xf32>
    %get3A_27 = arith.constant 0 : index
    %get3A_28 = arith.constant 0 : index
    %get3A_29 = arith.constant 2 : index
    %get3A_30 = arith.constant 0 : index
    %get3A_31 = vector.load %arg1[%get3A_27, %get3A_28, %get3A_29, %get3A_30] : memref<1x58x58x64xf32, #tpu.memory_space<vmem>>, vector<1x56x56x64xf32>
    %get3A_32 = vector.shape_cast %get3A_31 : vector<1x56x56x64xf32> to vector<56x56x64xf32>
    %reshape3A_33 = vector.shape_cast %get3A_32 : vector<56x56x64xf32> to vector<3136x64xf32>
    %get3A_34 = arith.constant 2 : index
    %get3A_35 = arith.constant 0 : index
    %get3A_36 = arith.constant 0 : index
    %get3A_37 = vector.load %arg2[%get3A_34, %get3A_35, %get3A_36] : memref<9x64x64xf32, #tpu.memory_space<vmem>>, vector<1x64x64xf32>
    %get3A_38 = vector.shape_cast %get3A_37 : vector<1x64x64xf32> to vector<64x64xf32>
    %dot_general3A_39 = arith.constant dense<0.000000e+00> : vector<3136x64xf32>
    %dot_general3A_40 = tpu.matmul %reshape3A_33, %get3A_38, %dot_general3A_39 {dimension_numbers = #tpu.dot_dimension_numbers<[1], [0], [0], [1], [0, 0, 1, 1], [], []>, transpose_lhs_hint = false} : vector<3136x64xf32>, vector<64x64xf32>, vector<3136x64xf32> -> vector<3136x64xf32>
    %add3A_41 = arith.addf %add3A_26, %dot_general3A_40 : vector<3136x64xf32>
    %get3A_42 = arith.constant 0 : index
    %get3A_43 = arith.constant 1 : index
    %get3A_44 = arith.constant 0 : index
    %get3A_45 = arith.constant 0 : index
    %get3A_46 = vector.load %arg1[%get3A_42, %get3A_43, %get3A_44, %get3A_45] : memref<1x58x58x64xf32, #tpu.memory_space<vmem>>, vector<1x56x56x64xf32>
    %get3A_47 = vector.shape_cast %get3A_46 : vector<1x56x56x64xf32> to vector<56x56x64xf32>
    %reshape3A_48 = vector.shape_cast %get3A_47 : vector<56x56x64xf32> to vector<3136x64xf32>
    %get3A_49 = arith.constant 3 : index
    %get3A_50 = arith.constant 0 : index
    %get3A_51 = arith.constant 0 : index
    %get3A_52 = vector.load %arg2[%get3A_49, %get3A_50, %get3A_51] : memref<9x64x64xf32, #tpu.memory_space<vmem>>, vector<1x64x64xf32>
    %get3A_53 = vector.shape_cast %get3A_52 : vector<1x64x64xf32> to vector<64x64xf32>
    %dot_general3A_54 = arith.constant dense<0.000000e+00> : vector<3136x64xf32>
    %dot_general3A_55 = tpu.matmul %reshape3A_48, %get3A_53, %dot_general3A_54 {dimension_numbers = #tpu.dot_dimension_numbers<[1], [0], [0], [1], [0, 0, 1, 1], [], []>, transpose_lhs_hint = false} : vector<3136x64xf32>, vector<64x64xf32>, vector<3136x64xf32> -> vector<3136x64xf32>
    %add3A_56 = arith.addf %add3A_41, %dot_general3A_55 : vector<3136x64xf32>
    %get3A_57 = arith.constant 0 : index
    %get3A_58 = arith.constant 1 : index
    %get3A_59 = arith.constant 1 : index
    %get3A_60 = arith.constant 0 : index
    %get3A_61 = vector.load %arg1[%get3A_57, %get3A_58, %get3A_59, %get3A_60] : memref<1x58x58x64xf32, #tpu.memory_space<vmem>>, vector<1x56x56x64xf32>
    %get3A_62 = vector.shape_cast %get3A_61 : vector<1x56x56x64xf32> to vector<56x56x64xf32>
    %reshape3A_63 = vector.shape_cast %get3A_62 : vector<56x56x64xf32> to vector<3136x64xf32>
    %get3A_64 = arith.constant 4 : index
    %get3A_65 = arith.constant 0 : index
    %get3A_66 = arith.constant 0 : index
    %get3A_67 = vector.load %arg2[%get3A_64, %get3A_65, %get3A_66] : memref<9x64x64xf32, #tpu.memory_space<vmem>>, vector<1x64x64xf32>
    %get3A_68 = vector.shape_cast %get3A_67 : vector<1x64x64xf32> to vector<64x64xf32>
    %dot_general3A_69 = arith.constant dense<0.000000e+00> : vector<3136x64xf32>
    %dot_general3A_70 = tpu.matmul %reshape3A_63, %get3A_68, %dot_general3A_69 {dimension_numbers = #tpu.dot_dimension_numbers<[1], [0], [0], [1], [0, 0, 1, 1], [], []>, transpose_lhs_hint = false} : vector<3136x64xf32>, vector<64x64xf32>, vector<3136x64xf32> -> vector<3136x64xf32>
    %add3A_71 = arith.addf %add3A_56, %dot_general3A_70 : vector<3136x64xf32>
    %get3A_72 = arith.constant 0 : index
    %get3A_73 = arith.constant 1 : index
    %get3A_74 = arith.constant 2 : index
    %get3A_75 = arith.constant 0 : index
    %get3A_76 = vector.load %arg1[%get3A_72, %get3A_73, %get3A_74, %get3A_75] : memref<1x58x58x64xf32, #tpu.memory_space<vmem>>, vector<1x56x56x64xf32>
    %get3A_77 = vector.shape_cast %get3A_76 : vector<1x56x56x64xf32> to vector<56x56x64xf32>
    %reshape3A_78 = vector.shape_cast %get3A_77 : vector<56x56x64xf32> to vector<3136x64xf32>
    %get3A_79 = arith.constant 5 : index
    %get3A_80 = arith.constant 0 : index
    %get3A_81 = arith.constant 0 : index
    %get3A_82 = vector.load %arg2[%get3A_79, %get3A_80, %get3A_81] : memref<9x64x64xf32, #tpu.memory_space<vmem>>, vector<1x64x64xf32>
    %get3A_83 = vector.shape_cast %get3A_82 : vector<1x64x64xf32> to vector<64x64xf32>
    %dot_general3A_84 = arith.constant dense<0.000000e+00> : vector<3136x64xf32>
    %dot_general3A_85 = tpu.matmul %reshape3A_78, %get3A_83, %dot_general3A_84 {dimension_numbers = #tpu.dot_dimension_numbers<[1], [0], [0], [1], [0, 0, 1, 1], [], []>, transpose_lhs_hint = false} : vector<3136x64xf32>, vector<64x64xf32>, vector<3136x64xf32> -> vector<3136x64xf32>
    %add3A_86 = arith.addf %add3A_71, %dot_general3A_85 : vector<3136x64xf32>
    %get3A_87 = arith.constant 0 : index
    %get3A_88 = arith.constant 2 : index
    %get3A_89 = arith.constant 0 : index
    %get3A_90 = arith.constant 0 : index
    %get3A_91 = vector.load %arg1[%get3A_87, %get3A_88, %get3A_89, %get3A_90] : memref<1x58x58x64xf32, #tpu.memory_space<vmem>>, vector<1x56x56x64xf32>
    %get3A_92 = vector.shape_cast %get3A_91 : vector<1x56x56x64xf32> to vector<56x56x64xf32>
    %reshape3A_93 = vector.shape_cast %get3A_92 : vector<56x56x64xf32> to vector<3136x64xf32>
    %get3A_94 = arith.constant 6 : index
    %get3A_95 = arith.constant 0 : index
    %get3A_96 = arith.constant 0 : index
    %get3A_97 = vector.load %arg2[%get3A_94, %get3A_95, %get3A_96] : memref<9x64x64xf32, #tpu.memory_space<vmem>>, vector<1x64x64xf32>
    %get3A_98 = vector.shape_cast %get3A_97 : vector<1x64x64xf32> to vector<64x64xf32>
    %dot_general3A_99 = arith.constant dense<0.000000e+00> : vector<3136x64xf32>
    %dot_general3A_100 = tpu.matmul %reshape3A_93, %get3A_98, %dot_general3A_99 {dimension_numbers = #tpu.dot_dimension_numbers<[1], [0], [0], [1], [0, 0, 1, 1], [], []>, transpose_lhs_hint = false} : vector<3136x64xf32>, vector<64x64xf32>, vector<3136x64xf32> -> vector<3136x64xf32>
    %add3A_101 = arith.addf %add3A_86, %dot_general3A_100 : vector<3136x64xf32>
    %get3A_102 = arith.constant 0 : index
    %get3A_103 = arith.constant 2 : index
    %get3A_104 = arith.constant 1 : index
    %get3A_105 = arith.constant 0 : index
    %get3A_106 = vector.load %arg1[%get3A_102, %get3A_103, %get3A_104, %get3A_105] : memref<1x58x58x64xf32, #tpu.memory_space<vmem>>, vector<1x56x56x64xf32>
    %get3A_107 = vector.shape_cast %get3A_106 : vector<1x56x56x64xf32> to vector<56x56x64xf32>
    %reshape3A_108 = vector.shape_cast %get3A_107 : vector<56x56x64xf32> to vector<3136x64xf32>
    %get3A_109 = arith.constant 7 : index
    %get3A_110 = arith.constant 0 : index
    %get3A_111 = arith.constant 0 : index
    %get3A_112 = vector.load %arg2[%get3A_109, %get3A_110, %get3A_111] : memref<9x64x64xf32, #tpu.memory_space<vmem>>, vector<1x64x64xf32>
    %get3A_113 = vector.shape_cast %get3A_112 : vector<1x64x64xf32> to vector<64x64xf32>
    %dot_general3A_114 = arith.constant dense<0.000000e+00> : vector<3136x64xf32>
    %dot_general3A_115 = tpu.matmul %reshape3A_108, %get3A_113, %dot_general3A_114 {dimension_numbers = #tpu.dot_dimension_numbers<[1], [0], [0], [1], [0, 0, 1, 1], [], []>, transpose_lhs_hint = false} : vector<3136x64xf32>, vector<64x64xf32>, vector<3136x64xf32> -> vector<3136x64xf32>
    %add3A_116 = arith.addf %add3A_101, %dot_general3A_115 : vector<3136x64xf32>
    %get3A_117 = arith.constant 0 : index
    %get3A_118 = arith.constant 2 : index
    %get3A_119 = arith.constant 2 : index
    %get3A_120 = arith.constant 0 : index
    %get3A_121 = vector.load %arg1[%get3A_117, %get3A_118, %get3A_119, %get3A_120] : memref<1x58x58x64xf32, #tpu.memory_space<vmem>>, vector<1x56x56x64xf32>
    %get3A_122 = vector.shape_cast %get3A_121 : vector<1x56x56x64xf32> to vector<56x56x64xf32>
    %reshape3A_123 = vector.shape_cast %get3A_122 : vector<56x56x64xf32> to vector<3136x64xf32>
    %get3A_124 = arith.constant 8 : index
    %get3A_125 = arith.constant 0 : index
    %get3A_126 = arith.constant 0 : index
    %get3A_127 = vector.load %arg2[%get3A_124, %get3A_125, %get3A_126] : memref<9x64x64xf32, #tpu.memory_space<vmem>>, vector<1x64x64xf32>
    %get3A_128 = vector.shape_cast %get3A_127 : vector<1x64x64xf32> to vector<64x64xf32>
    %dot_general3A_129 = arith.constant dense<0.000000e+00> : vector<3136x64xf32>
    %dot_general3A_130 = tpu.matmul %reshape3A_123, %get3A_128, %dot_general3A_129 {dimension_numbers = #tpu.dot_dimension_numbers<[1], [0], [0], [1], [0, 0, 1, 1], [], []>, transpose_lhs_hint = false} : vector<3136x64xf32>, vector<64x64xf32>, vector<3136x64xf32> -> vector<3136x64xf32>
    %add3A_131 = arith.addf %add3A_116, %dot_general3A_130 : vector<3136x64xf32>
    %get3A_132 = arith.constant 0 : index
    %get3A_133 = arith.constant 0 : index
    %get3A_134 = vector.load %arg3[%get3A_132, %get3A_133] : memref<1x64xf32, #tpu.memory_space<vmem>>, vector<1x64xf32>
    %add3A_135 = vector.broadcast %get3A_134 : vector<1x64xf32> to vector<3136x64xf32>
    %add3A_136 = arith.addf %add3A_131, %add3A_135 : vector<3136x64xf32>
    %swap3A = arith.constant 0 : index
    %swap3A_137 = arith.constant 0 : index
    %swap3A_138 = arith.constant 0 : index
    %swap3A_139 = vector.load %arg4[%swap3A, %swap3A_137, %swap3A_138] : memref<1x3136x64xf32, #tpu.memory_space<vmem>>, vector<1x3136x64xf32>
    %swap3A_140 = vector.shape_cast %swap3A_139 : vector<1x3136x64xf32> to vector<3136x64xf32>
    %swap3A_141 = vector.shape_cast %add3A_136 : vector<3136x64xf32> to vector<1x3136x64xf32>
    tpu.vector_store %arg4[%swap3A, %swap3A_137, %swap3A_138], %swap3A_141 {strides = array<i32>} : memref<1x3136x64xf32, #tpu.memory_space<vmem>>, vector<1x3136x64xf32>,
    return
  }
  func.func @transform_0(%arg0: i32) -> (i32, i32, i32, i32) {
    %c0_i32 = arith.constant 0 : i32
    %c0_i32_0 = arith.constant 0 : i32
    %c0_i32_1 = arith.constant 0 : i32
    %c0_i32_2 = arith.constant 0 : i32
    return %arg0, %c0_i32, %c0_i32_0, %c0_i32_1 : i32, i32, i32, i32
  }
  func.func @transform_1(%arg0: i32) -> (i32, i32, i32) {
    %c0_i32 = arith.constant 0 : i32
    %c0_i32_0 = arith.constant 0 : i32
    %c0_i32_1 = arith.constant 0 : i32
    %c0_i32_2 = arith.constant 0 : i32
    return %c0_i32, %c0_i32_0, %c0_i32_1 : i32, i32, i32
  }
  func.func @transform_2(%arg0: i32) -> (i32, i32) {
    %c0_i32 = arith.constant 0 : i32
    %c0_i32_0 = arith.constant 0 : i32
    %c0_i32_1 = arith.constant 0 : i32
    return %c0_i32, %c0_i32_0 : i32, i32
  }
  func.func @transform_3(%arg0: i32) -> (i32, i32, i32) {
    %c0_i32 = arith.constant 0 : i32
    %c0_i32_0 = arith.constant 0 : i32
    %c0_i32_1 = arith.constant 0 : i32
    return %arg0, %c0_i32, %c0_i32_0 : i32, i32, i32
  }
}

module attributes {stable_mosaic.version = 14 : i64} {
  func.func @_res_body(%arg0: i32, %arg1: memref<1x58x58x64xf32, #tpu.memory_space<vmem>>, %arg2: memref<9x64x32xf32, #tpu.memory_space<vmem>>, %arg3: memref<1x32xf32, #tpu.memory_space<vmem>>, %arg4: memref<32x64xf32, #tpu.memory_space<vmem>>, %arg5: memref<1x64xf32, #tpu.memory_space<vmem>>, %arg6: memref<1x3136x64xf32, #tpu.memory_space<vmem>>) attributes {dimension_semantics = [#tpu.dimension_semantics<parallel>], iteration_bounds = array<i64: 8>, scalar_prefetch = 0 : i64, scratch_operands = 0 : i64, tpu.core_type = #tpu.core_type<tc>, window_params = [{transform_indices = @transform_0, window_bounds = array<i64: 1, 58, 58, 64>}, {pipeline_mode = #tpu.pipeline_mode<synchronous>, transform_indices = @transform_1, window_bounds = array<i64: 9, 64, 32>}, {pipeline_mode = #tpu.pipeline_mode<synchronous>, transform_indices = @transform_2, window_bounds = array<i64: 1, 32>}, {pipeline_mode = #tpu.pipeline_mode<synchronous>, transform_indices = @transform_3, window_bounds = array<i64: 32, 64>}, {pipeline_mode = #tpu.pipeline_mode<synchronous>, transform_indices = @transform_4, window_bounds = array<i64: 1, 64>}, {transform_indices = @transform_5, window_bounds = array<i64: 1, 3136, 64>}]} {
    %broadcast_in_dim3A = arith.constant 0.000000e+00 : f32
    %broadcast_in_dim3A_0 = vector.broadcast %broadcast_in_dim3A : f32 to vector<3136x32xf32>
    %get3A = arith.constant 0 : index
    %get3A_1 = arith.constant 0 : index
    %get3A_2 = arith.constant 0 : index
    %get3A_3 = arith.constant 0 : index
    %get3A_4 = vector.load %arg1[%get3A, %get3A_1, %get3A_2, %get3A_3] : memref<1x58x58x64xf32, #tpu.memory_space<vmem>>, vector<1x56x56x64xf32>
    %get3A_5 = vector.shape_cast %get3A_4 : vector<1x56x56x64xf32> to vector<56x56x64xf32>
    %reshape3A = vector.shape_cast %get3A_5 : vector<56x56x64xf32> to vector<3136x64xf32>
    %max3A = arith.constant 0.000000e+00 : f32
    %max3A_6 = vector.broadcast %max3A : f32 to vector<3136x64xf32>
    %max3A_7 = arith.maximumf %reshape3A, %max3A_6 : vector<3136x64xf32>
    %get3A_8 = arith.constant 0 : index
    %get3A_9 = arith.constant 0 : index
    %get3A_10 = arith.constant 0 : index
    %get3A_11 = vector.load %arg2[%get3A_8, %get3A_9, %get3A_10] : memref<9x64x32xf32, #tpu.memory_space<vmem>>, vector<1x64x32xf32>
    %get3A_12 = vector.shape_cast %get3A_11 : vector<1x64x32xf32> to vector<64x32xf32>
    %dot_general3A = arith.constant dense<0.000000e+00> : vector<3136x32xf32>
    %dot_general3A_13 = tpu.matmul %max3A_7, %get3A_12, %dot_general3A {dimension_numbers = #tpu.dot_dimension_numbers<[1], [0], [0], [1], [0, 0, 1, 1], [], []>, transpose_lhs_hint = false} : vector<3136x64xf32>, vector<64x32xf32>, vector<3136x32xf32> -> vector<3136x32xf32>
    %add3A = arith.addf %broadcast_in_dim3A_0, %dot_general3A_13 : vector<3136x32xf32>
    %get3A_14 = arith.constant 0 : index
    %get3A_15 = arith.constant 0 : index
    %get3A_16 = arith.constant 1 : index
    %get3A_17 = arith.constant 0 : index
    %get3A_18 = vector.load %arg1[%get3A_14, %get3A_15, %get3A_16, %get3A_17] : memref<1x58x58x64xf32, #tpu.memory_space<vmem>>, vector<1x56x56x64xf32>
    %get3A_19 = vector.shape_cast %get3A_18 : vector<1x56x56x64xf32> to vector<56x56x64xf32>
    %reshape3A_20 = vector.shape_cast %get3A_19 : vector<56x56x64xf32> to vector<3136x64xf32>
    %max3A_21 = arith.constant 0.000000e+00 : f32
    %max3A_22 = vector.broadcast %max3A_21 : f32 to vector<3136x64xf32>
    %max3A_23 = arith.maximumf %reshape3A_20, %max3A_22 : vector<3136x64xf32>
    %get3A_24 = arith.constant 1 : index
    %get3A_25 = arith.constant 0 : index
    %get3A_26 = arith.constant 0 : index
    %get3A_27 = vector.load %arg2[%get3A_24, %get3A_25, %get3A_26] : memref<9x64x32xf32, #tpu.memory_space<vmem>>, vector<1x64x32xf32>
    %get3A_28 = vector.shape_cast %get3A_27 : vector<1x64x32xf32> to vector<64x32xf32>
    %dot_general3A_29 = arith.constant dense<0.000000e+00> : vector<3136x32xf32>
    %dot_general3A_30 = tpu.matmul %max3A_23, %get3A_28, %dot_general3A_29 {dimension_numbers = #tpu.dot_dimension_numbers<[1], [0], [0], [1], [0, 0, 1, 1], [], []>, transpose_lhs_hint = false} : vector<3136x64xf32>, vector<64x32xf32>, vector<3136x32xf32> -> vector<3136x32xf32>
    %add3A_31 = arith.addf %add3A, %dot_general3A_30 : vector<3136x32xf32>
    %get3A_32 = arith.constant 0 : index
    %get3A_33 = arith.constant 0 : index
    %get3A_34 = arith.constant 2 : index
    %get3A_35 = arith.constant 0 : index
    %get3A_36 = vector.load %arg1[%get3A_32, %get3A_33, %get3A_34, %get3A_35] : memref<1x58x58x64xf32, #tpu.memory_space<vmem>>, vector<1x56x56x64xf32>
    %get3A_37 = vector.shape_cast %get3A_36 : vector<1x56x56x64xf32> to vector<56x56x64xf32>
    %reshape3A_38 = vector.shape_cast %get3A_37 : vector<56x56x64xf32> to vector<3136x64xf32>
    %max3A_39 = arith.constant 0.000000e+00 : f32
    %max3A_40 = vector.broadcast %max3A_39 : f32 to vector<3136x64xf32>
    %max3A_41 = arith.maximumf %reshape3A_38, %max3A_40 : vector<3136x64xf32>
    %get3A_42 = arith.constant 2 : index
    %get3A_43 = arith.constant 0 : index
    %get3A_44 = arith.constant 0 : index
    %get3A_45 = vector.load %arg2[%get3A_42, %get3A_43, %get3A_44] : memref<9x64x32xf32, #tpu.memory_space<vmem>>, vector<1x64x32xf32>
    %get3A_46 = vector.shape_cast %get3A_45 : vector<1x64x32xf32> to vector<64x32xf32>
    %dot_general3A_47 = arith.constant dense<0.000000e+00> : vector<3136x32xf32>
    %dot_general3A_48 = tpu.matmul %max3A_41, %get3A_46, %dot_general3A_47 {dimension_numbers = #tpu.dot_dimension_numbers<[1], [0], [0], [1], [0, 0, 1, 1], [], []>, transpose_lhs_hint = false} : vector<3136x64xf32>, vector<64x32xf32>, vector<3136x32xf32> -> vector<3136x32xf32>
    %add3A_49 = arith.addf %add3A_31, %dot_general3A_48 : vector<3136x32xf32>
    %get3A_50 = arith.constant 0 : index
    %get3A_51 = arith.constant 1 : index
    %get3A_52 = arith.constant 0 : index
    %get3A_53 = arith.constant 0 : index
    %get3A_54 = vector.load %arg1[%get3A_50, %get3A_51, %get3A_52, %get3A_53] : memref<1x58x58x64xf32, #tpu.memory_space<vmem>>, vector<1x56x56x64xf32>
    %get3A_55 = vector.shape_cast %get3A_54 : vector<1x56x56x64xf32> to vector<56x56x64xf32>
    %reshape3A_56 = vector.shape_cast %get3A_55 : vector<56x56x64xf32> to vector<3136x64xf32>
    %max3A_57 = arith.constant 0.000000e+00 : f32
    %max3A_58 = vector.broadcast %max3A_57 : f32 to vector<3136x64xf32>
    %max3A_59 = arith.maximumf %reshape3A_56, %max3A_58 : vector<3136x64xf32>
    %get3A_60 = arith.constant 3 : index
    %get3A_61 = arith.constant 0 : index
    %get3A_62 = arith.constant 0 : index
    %get3A_63 = vector.load %arg2[%get3A_60, %get3A_61, %get3A_62] : memref<9x64x32xf32, #tpu.memory_space<vmem>>, vector<1x64x32xf32>
    %get3A_64 = vector.shape_cast %get3A_63 : vector<1x64x32xf32> to vector<64x32xf32>
    %dot_general3A_65 = arith.constant dense<0.000000e+00> : vector<3136x32xf32>
    %dot_general3A_66 = tpu.matmul %max3A_59, %get3A_64, %dot_general3A_65 {dimension_numbers = #tpu.dot_dimension_numbers<[1], [0], [0], [1], [0, 0, 1, 1], [], []>, transpose_lhs_hint = false} : vector<3136x64xf32>, vector<64x32xf32>, vector<3136x32xf32> -> vector<3136x32xf32>
    %add3A_67 = arith.addf %add3A_49, %dot_general3A_66 : vector<3136x32xf32>
    %get3A_68 = arith.constant 0 : index
    %get3A_69 = arith.constant 1 : index
    %get3A_70 = arith.constant 1 : index
    %get3A_71 = arith.constant 0 : index
    %get3A_72 = vector.load %arg1[%get3A_68, %get3A_69, %get3A_70, %get3A_71] : memref<1x58x58x64xf32, #tpu.memory_space<vmem>>, vector<1x56x56x64xf32>
    %get3A_73 = vector.shape_cast %get3A_72 : vector<1x56x56x64xf32> to vector<56x56x64xf32>
    %reshape3A_74 = vector.shape_cast %get3A_73 : vector<56x56x64xf32> to vector<3136x64xf32>
    %max3A_75 = arith.constant 0.000000e+00 : f32
    %max3A_76 = vector.broadcast %max3A_75 : f32 to vector<3136x64xf32>
    %max3A_77 = arith.maximumf %reshape3A_74, %max3A_76 : vector<3136x64xf32>
    %get3A_78 = arith.constant 4 : index
    %get3A_79 = arith.constant 0 : index
    %get3A_80 = arith.constant 0 : index
    %get3A_81 = vector.load %arg2[%get3A_78, %get3A_79, %get3A_80] : memref<9x64x32xf32, #tpu.memory_space<vmem>>, vector<1x64x32xf32>
    %get3A_82 = vector.shape_cast %get3A_81 : vector<1x64x32xf32> to vector<64x32xf32>
    %dot_general3A_83 = arith.constant dense<0.000000e+00> : vector<3136x32xf32>
    %dot_general3A_84 = tpu.matmul %max3A_77, %get3A_82, %dot_general3A_83 {dimension_numbers = #tpu.dot_dimension_numbers<[1], [0], [0], [1], [0, 0, 1, 1], [], []>, transpose_lhs_hint = false} : vector<3136x64xf32>, vector<64x32xf32>, vector<3136x32xf32> -> vector<3136x32xf32>
    %add3A_85 = arith.addf %add3A_67, %dot_general3A_84 : vector<3136x32xf32>
    %get3A_86 = arith.constant 0 : index
    %get3A_87 = arith.constant 1 : index
    %get3A_88 = arith.constant 2 : index
    %get3A_89 = arith.constant 0 : index
    %get3A_90 = vector.load %arg1[%get3A_86, %get3A_87, %get3A_88, %get3A_89] : memref<1x58x58x64xf32, #tpu.memory_space<vmem>>, vector<1x56x56x64xf32>
    %get3A_91 = vector.shape_cast %get3A_90 : vector<1x56x56x64xf32> to vector<56x56x64xf32>
    %reshape3A_92 = vector.shape_cast %get3A_91 : vector<56x56x64xf32> to vector<3136x64xf32>
    %max3A_93 = arith.constant 0.000000e+00 : f32
    %max3A_94 = vector.broadcast %max3A_93 : f32 to vector<3136x64xf32>
    %max3A_95 = arith.maximumf %reshape3A_92, %max3A_94 : vector<3136x64xf32>
    %get3A_96 = arith.constant 5 : index
    %get3A_97 = arith.constant 0 : index
    %get3A_98 = arith.constant 0 : index
    %get3A_99 = vector.load %arg2[%get3A_96, %get3A_97, %get3A_98] : memref<9x64x32xf32, #tpu.memory_space<vmem>>, vector<1x64x32xf32>
    %get3A_100 = vector.shape_cast %get3A_99 : vector<1x64x32xf32> to vector<64x32xf32>
    %dot_general3A_101 = arith.constant dense<0.000000e+00> : vector<3136x32xf32>
    %dot_general3A_102 = tpu.matmul %max3A_95, %get3A_100, %dot_general3A_101 {dimension_numbers = #tpu.dot_dimension_numbers<[1], [0], [0], [1], [0, 0, 1, 1], [], []>, transpose_lhs_hint = false} : vector<3136x64xf32>, vector<64x32xf32>, vector<3136x32xf32> -> vector<3136x32xf32>
    %add3A_103 = arith.addf %add3A_85, %dot_general3A_102 : vector<3136x32xf32>
    %get3A_104 = arith.constant 0 : index
    %get3A_105 = arith.constant 2 : index
    %get3A_106 = arith.constant 0 : index
    %get3A_107 = arith.constant 0 : index
    %get3A_108 = vector.load %arg1[%get3A_104, %get3A_105, %get3A_106, %get3A_107] : memref<1x58x58x64xf32, #tpu.memory_space<vmem>>, vector<1x56x56x64xf32>
    %get3A_109 = vector.shape_cast %get3A_108 : vector<1x56x56x64xf32> to vector<56x56x64xf32>
    %reshape3A_110 = vector.shape_cast %get3A_109 : vector<56x56x64xf32> to vector<3136x64xf32>
    %max3A_111 = arith.constant 0.000000e+00 : f32
    %max3A_112 = vector.broadcast %max3A_111 : f32 to vector<3136x64xf32>
    %max3A_113 = arith.maximumf %reshape3A_110, %max3A_112 : vector<3136x64xf32>
    %get3A_114 = arith.constant 6 : index
    %get3A_115 = arith.constant 0 : index
    %get3A_116 = arith.constant 0 : index
    %get3A_117 = vector.load %arg2[%get3A_114, %get3A_115, %get3A_116] : memref<9x64x32xf32, #tpu.memory_space<vmem>>, vector<1x64x32xf32>
    %get3A_118 = vector.shape_cast %get3A_117 : vector<1x64x32xf32> to vector<64x32xf32>
    %dot_general3A_119 = arith.constant dense<0.000000e+00> : vector<3136x32xf32>
    %dot_general3A_120 = tpu.matmul %max3A_113, %get3A_118, %dot_general3A_119 {dimension_numbers = #tpu.dot_dimension_numbers<[1], [0], [0], [1], [0, 0, 1, 1], [], []>, transpose_lhs_hint = false} : vector<3136x64xf32>, vector<64x32xf32>, vector<3136x32xf32> -> vector<3136x32xf32>
    %add3A_121 = arith.addf %add3A_103, %dot_general3A_120 : vector<3136x32xf32>
    %get3A_122 = arith.constant 0 : index
    %get3A_123 = arith.constant 2 : index
    %get3A_124 = arith.constant 1 : index
    %get3A_125 = arith.constant 0 : index
    %get3A_126 = vector.load %arg1[%get3A_122, %get3A_123, %get3A_124, %get3A_125] : memref<1x58x58x64xf32, #tpu.memory_space<vmem>>, vector<1x56x56x64xf32>
    %get3A_127 = vector.shape_cast %get3A_126 : vector<1x56x56x64xf32> to vector<56x56x64xf32>
    %reshape3A_128 = vector.shape_cast %get3A_127 : vector<56x56x64xf32> to vector<3136x64xf32>
    %max3A_129 = arith.constant 0.000000e+00 : f32
    %max3A_130 = vector.broadcast %max3A_129 : f32 to vector<3136x64xf32>
    %max3A_131 = arith.maximumf %reshape3A_128, %max3A_130 : vector<3136x64xf32>
    %get3A_132 = arith.constant 7 : index
    %get3A_133 = arith.constant 0 : index
    %get3A_134 = arith.constant 0 : index
    %get3A_135 = vector.load %arg2[%get3A_132, %get3A_133, %get3A_134] : memref<9x64x32xf32, #tpu.memory_space<vmem>>, vector<1x64x32xf32>
    %get3A_136 = vector.shape_cast %get3A_135 : vector<1x64x32xf32> to vector<64x32xf32>
    %dot_general3A_137 = arith.constant dense<0.000000e+00> : vector<3136x32xf32>
    %dot_general3A_138 = tpu.matmul %max3A_131, %get3A_136, %dot_general3A_137 {dimension_numbers = #tpu.dot_dimension_numbers<[1], [0], [0], [1], [0, 0, 1, 1], [], []>, transpose_lhs_hint = false} : vector<3136x64xf32>, vector<64x32xf32>, vector<3136x32xf32> -> vector<3136x32xf32>
    %add3A_139 = arith.addf %add3A_121, %dot_general3A_138 : vector<3136x32xf32>
    %get3A_140 = arith.constant 0 : index
    %get3A_141 = arith.constant 2 : index
    %get3A_142 = arith.constant 2 : index
    %get3A_143 = arith.constant 0 : index
    %get3A_144 = vector.load %arg1[%get3A_140, %get3A_141, %get3A_142, %get3A_143] : memref<1x58x58x64xf32, #tpu.memory_space<vmem>>, vector<1x56x56x64xf32>
    %get3A_145 = vector.shape_cast %get3A_144 : vector<1x56x56x64xf32> to vector<56x56x64xf32>
    %reshape3A_146 = vector.shape_cast %get3A_145 : vector<56x56x64xf32> to vector<3136x64xf32>
    %max3A_147 = arith.constant 0.000000e+00 : f32
    %max3A_148 = vector.broadcast %max3A_147 : f32 to vector<3136x64xf32>
    %max3A_149 = arith.maximumf %reshape3A_146, %max3A_148 : vector<3136x64xf32>
    %get3A_150 = arith.constant 8 : index
    %get3A_151 = arith.constant 0 : index
    %get3A_152 = arith.constant 0 : index
    %get3A_153 = vector.load %arg2[%get3A_150, %get3A_151, %get3A_152] : memref<9x64x32xf32, #tpu.memory_space<vmem>>, vector<1x64x32xf32>
    %get3A_154 = vector.shape_cast %get3A_153 : vector<1x64x32xf32> to vector<64x32xf32>
    %dot_general3A_155 = arith.constant dense<0.000000e+00> : vector<3136x32xf32>
    %dot_general3A_156 = tpu.matmul %max3A_149, %get3A_154, %dot_general3A_155 {dimension_numbers = #tpu.dot_dimension_numbers<[1], [0], [0], [1], [0, 0, 1, 1], [], []>, transpose_lhs_hint = false} : vector<3136x64xf32>, vector<64x32xf32>, vector<3136x32xf32> -> vector<3136x32xf32>
    %add3A_157 = arith.addf %add3A_139, %dot_general3A_156 : vector<3136x32xf32>
    %get3A_158 = arith.constant 0 : index
    %get3A_159 = arith.constant 0 : index
    %get3A_160 = vector.load %arg3[%get3A_158, %get3A_159] : memref<1x32xf32, #tpu.memory_space<vmem>>, vector<1x32xf32>
    %add3A_161 = vector.broadcast %get3A_160 : vector<1x32xf32> to vector<3136x32xf32>
    %add3A_162 = arith.addf %add3A_157, %add3A_161 : vector<3136x32xf32>
    %max3A_163 = arith.constant 0.000000e+00 : f32
    %max3A_164 = vector.broadcast %max3A_163 : f32 to vector<3136x32xf32>
    %max3A_165 = arith.maximumf %add3A_162, %max3A_164 : vector<3136x32xf32>
    %get3A_166 = arith.constant 0 : index
    %get3A_167 = arith.constant 1 : index
    %get3A_168 = arith.constant 1 : index
    %get3A_169 = arith.constant 0 : index
    %get3A_170 = vector.load %arg1[%get3A_166, %get3A_167, %get3A_168, %get3A_169] : memref<1x58x58x64xf32, #tpu.memory_space<vmem>>, vector<1x56x56x64xf32>
    %get3A_171 = vector.shape_cast %get3A_170 : vector<1x56x56x64xf32> to vector<56x56x64xf32>
    %reshape3A_172 = vector.shape_cast %get3A_171 : vector<56x56x64xf32> to vector<3136x64xf32>
    %get3A_173 = arith.constant 0 : index
    %get3A_174 = arith.constant 0 : index
    %get3A_175 = vector.load %arg4[%get3A_173, %get3A_174] : memref<32x64xf32, #tpu.memory_space<vmem>>, vector<32x64xf32>
    %dot_general3A_176 = arith.constant dense<0.000000e+00> : vector<3136x64xf32>
    %dot_general3A_177 = tpu.matmul %max3A_165, %get3A_175, %dot_general3A_176 {dimension_numbers = #tpu.dot_dimension_numbers<[1], [0], [0], [1], [0, 0, 1, 1], [], []>, transpose_lhs_hint = false} : vector<3136x32xf32>, vector<32x64xf32>, vector<3136x64xf32> -> vector<3136x64xf32>
    %add3A_178 = arith.addf %reshape3A_172, %dot_general3A_177 : vector<3136x64xf32>
    %get3A_179 = arith.constant 0 : index
    %get3A_180 = arith.constant 0 : index
    %get3A_181 = vector.load %arg5[%get3A_179, %get3A_180] : memref<1x64xf32, #tpu.memory_space<vmem>>, vector<1x64xf32>
    %add3A_182 = vector.broadcast %get3A_181 : vector<1x64xf32> to vector<3136x64xf32>
    %add3A_183 = arith.addf %add3A_178, %add3A_182 : vector<3136x64xf32>
    %swap3A = arith.constant 0 : index
    %swap3A_184 = arith.constant 0 : index
    %swap3A_185 = arith.constant 0 : index
    %swap3A_186 = vector.load %arg6[%swap3A, %swap3A_184, %swap3A_185] : memref<1x3136x64xf32, #tpu.memory_space<vmem>>, vector<1x3136x64xf32>
    %swap3A_187 = vector.shape_cast %swap3A_186 : vector<1x3136x64xf32> to vector<3136x64xf32>
    %swap3A_188 = vector.shape_cast %add3A_183 : vector<3136x64xf32> to vector<1x3136x64xf32>
    tpu.vector_store %arg6[%swap3A, %swap3A_184, %swap3A_185], %swap3A_188 {strides = array<i32>} : memref<1x3136x64xf32, #tpu.memory_space<vmem>>, vector<1x3136x64xf32>,
    return
  }
  func.func @transform_0(%arg0: i32) -> (i32, i32, i32, i32) {
    %c0_i32 = arith.constant 0 : i32
    %c0_i32_0 = arith.constant 0 : i32
    %c0_i32_1 = arith.constant 0 : i32
    %c0_i32_2 = arith.constant 0 : i32
    return %arg0, %c0_i32, %c0_i32_0, %c0_i32_1 : i32, i32, i32, i32
  }
  func.func @transform_1(%arg0: i32) -> (i32, i32, i32) {
    %c0_i32 = arith.constant 0 : i32
    %c0_i32_0 = arith.constant 0 : i32
    %c0_i32_1 = arith.constant 0 : i32
    %c0_i32_2 = arith.constant 0 : i32
    return %c0_i32, %c0_i32_0, %c0_i32_1 : i32, i32, i32
  }
  func.func @transform_2(%arg0: i32) -> (i32, i32) {
    %c0_i32 = arith.constant 0 : i32
    %c0_i32_0 = arith.constant 0 : i32
    %c0_i32_1 = arith.constant 0 : i32
    return %c0_i32, %c0_i32_0 : i32, i32
  }
  func.func @transform_3(%arg0: i32) -> (i32, i32) {
    %c0_i32 = arith.constant 0 : i32
    %c0_i32_0 = arith.constant 0 : i32
    %c0_i32_1 = arith.constant 0 : i32
    return %c0_i32, %c0_i32_0 : i32, i32
  }
  func.func @transform_4(%arg0: i32) -> (i32, i32) {
    %c0_i32 = arith.constant 0 : i32
    %c0_i32_0 = arith.constant 0 : i32
    %c0_i32_1 = arith.constant 0 : i32
    return %c0_i32, %c0_i32_0 : i32, i32
  }
  func.func @transform_5(%arg0: i32) -> (i32, i32, i32) {
    %c0_i32 = arith.constant 0 : i32
    %c0_i32_0 = arith.constant 0 : i32
    %c0_i32_1 = arith.constant 0 : i32
    return %arg0, %c0_i32, %c0_i32_0 : i32, i32, i32
  }
}

module attributes {stable_mosaic.version = 14 : i64} {
  func.func @_vq_body(%arg0: i32, %arg1: memref<1568x64xf32, #tpu.memory_space<vmem>>, %arg2: memref<64x64xf32, #tpu.memory_space<vmem>>, %arg3: memref<1x64xf32, #tpu.memory_space<vmem>>, %arg4: memref<1024x64xf32, #tpu.memory_space<vmem>>, %arg5: memref<1x1x1568xi32, #tpu.memory_space<vmem>>, %arg6: memref<1x128xf32, #tpu.memory_space<vmem>>, %arg7: memref<1x1024xf32, #tpu.memory_space<vmem>>, %arg8: memref<1x1xf32, #tpu.memory_space<smem>>) attributes {dimension_semantics = [#tpu.dimension_semantics<arbitrary>], iteration_bounds = array<i64: 16>, scalar_prefetch = 0 : i64, scratch_operands = 2 : i64, tpu.core_type = #tpu.core_type<tc>, window_params = [{transform_indices = @transform_0, window_bounds = array<i64: 1568, 64>}, {pipeline_mode = #tpu.pipeline_mode<synchronous>, transform_indices = @transform_1, window_bounds = array<i64: 64, 64>}, {pipeline_mode = #tpu.pipeline_mode<synchronous>, transform_indices = @transform_2, window_bounds = array<i64: 1, 64>}, {pipeline_mode = #tpu.pipeline_mode<synchronous>, transform_indices = @transform_3, window_bounds = array<i64: 1024, 64>}, {transform_indices = @transform_4, window_bounds = array<i64: 1, 1, 1568>}, {pipeline_mode = #tpu.pipeline_mode<synchronous>, transform_indices = @transform_5, window_bounds = array<i64: 1, 128>}]} {
    %get3A = arith.constant 0 : index
    %get3A_0 = arith.constant 0 : index
    %get3A_1 = vector.load %arg1[%get3A, %get3A_0] : memref<1568x64xf32, #tpu.memory_space<vmem>>, vector<1568x64xf32>
    %max3A = arith.constant 0.000000e+00 : f32
    %max3A_2 = vector.broadcast %max3A : f32 to vector<1568x64xf32>
    %max3A_3 = arith.maximumf %get3A_1, %max3A_2 : vector<1568x64xf32>
    %get3A_4 = arith.constant 0 : index
    %get3A_5 = arith.constant 0 : index
    %get3A_6 = vector.load %arg2[%get3A_4, %get3A_5] : memref<64x64xf32, #tpu.memory_space<vmem>>, vector<64x64xf32>
    %dot_general3A = arith.constant dense<0.000000e+00> : vector<1568x64xf32>
    %dot_general3A_7 = tpu.matmul %max3A_3, %get3A_6, %dot_general3A {dimension_numbers = #tpu.dot_dimension_numbers<[1], [0], [0], [1], [0, 0, 1, 1], [], []>, transpose_lhs_hint = false} : vector<1568x64xf32>, vector<64x64xf32>, vector<1568x64xf32> -> vector<1568x64xf32>
    %get3A_8 = arith.constant 0 : index
    %get3A_9 = arith.constant 0 : index
    %get3A_10 = vector.load %arg3[%get3A_8, %get3A_9] : memref<1x64xf32, #tpu.memory_space<vmem>>, vector<1x64xf32>
    %add3A = vector.broadcast %get3A_10 : vector<1x64xf32> to vector<1568x64xf32>
    %add3A_11 = arith.addf %dot_general3A_7, %add3A : vector<1568x64xf32>
    %get3A_12 = arith.constant 0 : index
    %get3A_13 = arith.constant 0 : index
    %get3A_14 = vector.load %arg4[%get3A_12, %get3A_13] : memref<1024x64xf32, #tpu.memory_space<vmem>>, vector<1024x64xf32>
    %mul3A = arith.mulf %add3A_11, %add3A_11 : vector<1568x64xf32>
    %reduce_sum3A = arith.constant dense<0.000000e+00> : vector<1568xf32>
    %reduce_sum3A_15 = vector.multi_reduction <add>, %mul3A, %reduce_sum3A [1] : vector<1568x64xf32> to vector<1568xf32>
    %broadcast_in_dim3A = vector.shape_cast %reduce_sum3A_15 : vector<1568xf32> to vector<1568x1xf32>
    %mul3A_16 = arith.mulf %get3A_14, %get3A_14 : vector<1024x64xf32>
    %reduce_sum3A_17 = arith.constant dense<0.000000e+00> : vector<1024xf32>
    %reduce_sum3A_18 = vector.multi_reduction <add>, %mul3A_16, %reduce_sum3A_17 [1] : vector<1024x64xf32> to vector<1024xf32>
    %transpose3A = tpu.transpose %get3A_14, [1, 0] : vector<1024x64xf32> -> vector<64x1024xf32>
    %dot_general3A_19 = arith.constant dense<0.000000e+00> : vector<1568x1024xf32>
    %dot_general3A_20 = tpu.matmul %add3A_11, %transpose3A, %dot_general3A_19 {dimension_numbers = #tpu.dot_dimension_numbers<[1], [0], [0], [1], [0, 0, 1, 1], [], []>, transpose_lhs_hint = false} : vector<1568x64xf32>, vector<64x1024xf32>, vector<1568x1024xf32> -> vector<1568x1024xf32>
    %mul3A_21 = arith.constant 2.000000e+00 : f32
    %mul3A_22 = vector.broadcast %mul3A_21 : f32 to vector<1568x1024xf32>
    %mul3A_23 = arith.mulf %mul3A_22, %dot_general3A_20 : vector<1568x1024xf32>
    %sub3A = vector.broadcast %broadcast_in_dim3A : vector<1568x1xf32> to vector<1568x1024xf32>
    %sub3A_24 = arith.subf %sub3A, %mul3A_23 : vector<1568x1024xf32>
    %broadcast_in_dim3A_25 = vector.shape_cast %reduce_sum3A_18 : vector<1024xf32> to vector<1x1024xf32>
    %add3A_26 = vector.broadcast %broadcast_in_dim3A_25 : vector<1x1024xf32> to vector<1568x1024xf32>
    %add3A_27 = arith.addf %sub3A_24, %add3A_26 : vector<1568x1024xf32>
    %argmin3A = tpu.reduce_index %add3A_27 {axis = 1 : i32, kind = #tpu.reduction_kind<arg_min>} : vector<1568x1024xf32> -> vector<1568xi32>
    %iota3A = tpu.iota {dimensions = array<i32: 1>} : vector<1568x1024xi32>
    %broadcast_in_dim3A_28 = vector.shape_cast %argmin3A : vector<1568xi32> to vector<1568x1xi32>
    %eq3A = vector.broadcast %broadcast_in_dim3A_28 : vector<1568x1xi32> to vector<1568x1024xi32>
    %eq3A_29 = arith.cmpi eq, %eq3A, %iota3A : vector<1568x1024xi32>
    %convert_element_type3A = arith.extui %eq3A_29 : vector<1568x1024xi1> to vector<1568x1024xi32>
    %convert_element_type3A_30 = arith.sitofp %convert_element_type3A : vector<1568x1024xi32> to vector<1568x1024xf32>
    %swap3A = arith.constant 0 : index
    %swap3A_31 = arith.constant 0 : index
    %swap3A_32 = arith.constant 0 : index
    %swap3A_33 = vector.load %arg5[%swap3A, %swap3A_31, %swap3A_32] : memref<1x1x1568xi32, #tpu.memory_space<vmem>>, vector<1x1x1568xi32>
    %swap3A_34 = vector.shape_cast %swap3A_33 : vector<1x1x1568xi32> to vector<1568xi32>
    %swap3A_35 = vector.shape_cast %argmin3A : vector<1568xi32> to vector<1x1x1568xi32>
    tpu.vector_store %arg5[%swap3A, %swap3A_31, %swap3A_32], %swap3A_35 {strides = array<i32>} : memref<1x1x1568xi32, #tpu.memory_space<vmem>>, vector<1x1x1568xi32>,
    %reduce_min3A = arith.constant dense<0x7F800000> : vector<1568xf32>
    %reduce_min3A_36 = vector.multi_reduction <minimumf>, %add3A_27, %reduce_min3A [1] : vector<1568x1024xf32> to vector<1568xf32>
    %reduce_sum3A_37 = vector.shape_cast %reduce_min3A_36 : vector<1568xf32> to vector<1x1568xf32>
    %reduce_sum3A_38 = arith.constant dense<0.000000e+00> : vector<1xf32>
    %reduce_sum3A_39 = vector.multi_reduction <add>, %reduce_sum3A_37, %reduce_sum3A_38 [1] : vector<1x1568xf32> to vector<1xf32>
    %reduce_sum3A_40 = vector.shape_cast %reduce_sum3A_39 : vector<1xf32> to vector<1x1xf32>
    %reduce_sum3A_41 = vector.extract %reduce_sum3A_40[0, 0] : f32 from vector<1x1xf32>
    %reduce_sum3A_42 = arith.constant dense<0.000000e+00> : vector<1024xf32>
    %reduce_sum3A_43 = vector.multi_reduction <add>, %convert_element_type3A_30, %reduce_sum3A_42 [0] : vector<1568x1024xf32> to vector<1024xf32>
    %broadcast_in_dim3A_44 = vector.shape_cast %reduce_sum3A_43 : vector<1024xf32> to vector<1x1024xf32>
    %eq3A_45 = arith.constant 0 : i32
    %eq3A_46 = arith.cmpi eq, %arg0, %eq3A_45 : i32
    %convert_element_type3A_47 = arith.extui %eq3A_46 : i1 to i32
    %cond3A = arith.constant 0 : i32
    %cond3A_48 = arith.cmpi ne, %convert_element_type3A_47, %cond3A : i32
    scf.if %cond3A_48 {
      %swap3A_58 = arith.constant 0 : index
      %swap3A_59 = arith.constant 0 : index
      %swap3A_60 = vector.load %arg7[%swap3A_58, %swap3A_59] : memref<1x1024xf32, #tpu.memory_space<vmem>>, vector<1x1024xf32>
      tpu.vector_store %arg7[%swap3A_58, %swap3A_59], %broadcast_in_dim3A_44 {strides = array<i32>} : memref<1x1024xf32, #tpu.memory_space<vmem>>, vector<1x1024xf32>,
      %swap3A_61 = arith.constant 0 : index
      %swap3A_62 = arith.constant 0 : index
      %swap3A_63 = memref.load %arg8[%swap3A_61, %swap3A_62] : memref<1x1xf32, #tpu.memory_space<smem>>
      memref.store %reduce_sum3A_41, %arg8[%swap3A_61, %swap3A_62] : memref<1x1xf32, #tpu.memory_space<smem>>
    } else {
    }
    %gt3A = arith.constant 0 : i32
    %gt3A_49 = arith.cmpi sgt, %arg0, %gt3A : i32
    %convert_element_type3A_50 = arith.extui %gt3A_49 : i1 to i32
    %cond3A_51 = arith.constant 0 : i32
    %cond3A_52 = arith.cmpi ne, %convert_element_type3A_50, %cond3A_51 : i32
    scf.if %cond3A_52 {
      %get3A_58 = arith.constant 0 : index
      %get3A_59 = arith.constant 0 : index
      %get3A_60 = vector.load %arg7[%get3A_58, %get3A_59] : memref<1x1024xf32, #tpu.memory_space<vmem>>, vector<1x1024xf32>
      %add3A_61 = arith.addf %get3A_60, %broadcast_in_dim3A_44 : vector<1x1024xf32>
      %swap3A_62 = arith.constant 0 : index
      %swap3A_63 = arith.constant 0 : index
      %swap3A_64 = vector.load %arg7[%swap3A_62, %swap3A_63] : memref<1x1024xf32, #tpu.memory_space<vmem>>, vector<1x1024xf32>
      tpu.vector_store %arg7[%swap3A_62, %swap3A_63], %add3A_61 {strides = array<i32>} : memref<1x1024xf32, #tpu.memory_space<vmem>>, vector<1x1024xf32>,
      %get3A_65 = arith.constant 0 : index
      %get3A_66 = arith.constant 0 : index
      %get3A_67 = memref.load %arg8[%get3A_65, %get3A_66] : memref<1x1xf32, #tpu.memory_space<smem>>
      %add3A_68 = arith.addf %get3A_67, %reduce_sum3A_41 : f32
      %swap3A_69 = arith.constant 0 : index
      %swap3A_70 = arith.constant 0 : index
      %swap3A_71 = memref.load %arg8[%swap3A_69, %swap3A_70] : memref<1x1xf32, #tpu.memory_space<smem>>
      memref.store %add3A_68, %arg8[%swap3A_69, %swap3A_70] : memref<1x1xf32, #tpu.memory_space<smem>>
    } else {
    }
    %eq3A_53 = arith.constant 15 : i32
    %eq3A_54 = arith.cmpi eq, %arg0, %eq3A_53 : i32
    %convert_element_type3A_55 = arith.extui %eq3A_54 : i1 to i32
    %cond3A_56 = arith.constant 0 : i32
    %cond3A_57 = arith.cmpi ne, %convert_element_type3A_55, %cond3A_56 : i32
    scf.if %cond3A_57 {
      %get3A_58 = arith.constant 0 : index
      %get3A_59 = arith.constant 0 : index
      %get3A_60 = vector.load %arg7[%get3A_58, %get3A_59] : memref<1x1024xf32, #tpu.memory_space<vmem>>, vector<1x1024xf32>
      %div3A = arith.constant 2.508800e+04 : f32
      %div3A_61 = vector.broadcast %div3A : f32 to vector<1x1024xf32>
      %div3A_62 = arith.divf %get3A_60, %div3A_61 : vector<1x1024xf32>
      %add3A_63 = arith.constant 1.000000e-10 : f32
      %add3A_64 = vector.broadcast %add3A_63 : f32 to vector<1x1024xf32>
      %add3A_65 = arith.addf %div3A_62, %add3A_64 : vector<1x1024xf32>
      %log3A = math.log %add3A_65 : vector<1x1024xf32>
      %mul3A_66 = arith.mulf %div3A_62, %log3A : vector<1x1024xf32>
      %reduce_sum3A_67 = vector.shape_cast %mul3A_66 : vector<1x1024xf32> to vector<1x1x1024xf32>
      %reduce_sum3A_68 = arith.constant dense<0.000000e+00> : vector<1xf32>
      %reduce_sum3A_69 = vector.multi_reduction <add>, %reduce_sum3A_67, %reduce_sum3A_68 [1, 2] : vector<1x1x1024xf32> to vector<1xf32>
      %reduce_sum3A_70 = vector.shape_cast %reduce_sum3A_69 : vector<1xf32> to vector<1x1x1xf32>
      %reduce_sum3A_71 = vector.extract %reduce_sum3A_70[0, 0, 0] : f32 from vector<1x1x1xf32>
      %neg3A = arith.constant 0.000000e+00 : f32
      %neg3A_72 = arith.subf %neg3A, %reduce_sum3A_71 : f32
      %get3A_73 = arith.constant 0 : index
      %get3A_74 = arith.constant 0 : index
      %get3A_75 = memref.load %arg8[%get3A_73, %get3A_74] : memref<1x1xf32, #tpu.memory_space<smem>>
      %mul3A_76 = arith.constant 1.250000e+00 : f32
      %mul3A_77 = arith.mulf %mul3A_76, %get3A_75 : f32
      %mul3A_78 = arith.constant 2.508800e+04 : f32
      %mul3A_79 = arith.constant 6.400000e+01 : f32
      %mul3A_80 = arith.mulf %mul3A_78, %mul3A_79 : f32
      %div3A_81 = arith.divf %mul3A_77, %mul3A_80 : f32
      %iota3A_82 = tpu.iota {dimensions = array<i32: 1>} : vector<1x128xi32>
      %eq3A_83 = arith.constant 0 : i32
      %eq3A_84 = vector.broadcast %eq3A_83 : i32 to vector<1x128xi32>
      %eq3A_85 = arith.cmpi eq, %iota3A_82, %eq3A_84 : vector<1x128xi32>
      %eq3A_86 = arith.constant 1 : i32
      %eq3A_87 = vector.broadcast %eq3A_86 : i32 to vector<1x128xi32>
      %eq3A_88 = arith.cmpi eq, %iota3A_82, %eq3A_87 : vector<1x128xi32>
      %exp3A = math.exp %neg3A_72 : f32
      %jit3A = arith.constant 0.000000e+00 : f32
      %broadcast_in_dim3A_89 = vector.broadcast %exp3A : f32 to vector<1x128xf32>
      %broadcast_in_dim3A_90 = vector.broadcast %jit3A : f32 to vector<1x128xf32>
      %select_n3A = arith.select %eq3A_88, %broadcast_in_dim3A_89, %broadcast_in_dim3A_90 : vector<1x128xi1>, vector<1x128xf32>
      %broadcast_in_dim3A_91 = vector.broadcast %div3A_81 : f32 to vector<1x128xf32>
      %select_n3A_92 = arith.select %eq3A_85, %broadcast_in_dim3A_91, %select_n3A : vector<1x128xi1>, vector<1x128xf32>
      %swap3A_93 = arith.constant 0 : index
      %swap3A_94 = arith.constant 0 : index
      %swap3A_95 = vector.load %arg6[%swap3A_93, %swap3A_94] : memref<1x128xf32, #tpu.memory_space<vmem>>, vector<1x128xf32>
      tpu.vector_store %arg6[%swap3A_93, %swap3A_94], %select_n3A_92 {strides = array<i32>} : memref<1x128xf32, #tpu.memory_space<vmem>>, vector<1x128xf32>,
    } else {
    }
    return
  }
  func.func @transform_0(%arg0: i32) -> (i32, i32) {
    %c0_i32 = arith.constant 0 : i32
    %c0_i32_0 = arith.constant 0 : i32
    return %arg0, %c0_i32 : i32, i32
  }
  func.func @transform_1(%arg0: i32) -> (i32, i32) {
    %c0_i32 = arith.constant 0 : i32
    %c0_i32_0 = arith.constant 0 : i32
    %c0_i32_1 = arith.constant 0 : i32
    return %c0_i32, %c0_i32_0 : i32, i32
  }
  func.func @transform_2(%arg0: i32) -> (i32, i32) {
    %c0_i32 = arith.constant 0 : i32
    %c0_i32_0 = arith.constant 0 : i32
    %c0_i32_1 = arith.constant 0 : i32
    return %c0_i32, %c0_i32_0 : i32, i32
  }
  func.func @transform_3(%arg0: i32) -> (i32, i32) {
    %c0_i32 = arith.constant 0 : i32
    %c0_i32_0 = arith.constant 0 : i32
    %c0_i32_1 = arith.constant 0 : i32
    return %c0_i32, %c0_i32_0 : i32, i32
  }
  func.func @transform_4(%arg0: i32) -> (i32, i32, i32) {
    %c0_i32 = arith.constant 0 : i32
    %c0_i32_0 = arith.constant 0 : i32
    %c0_i32_1 = arith.constant 0 : i32
    return %arg0, %c0_i32, %c0_i32_0 : i32, i32, i32
  }
  func.func @transform_5(%arg0: i32) -> (i32, i32) {
    %c0_i32 = arith.constant 0 : i32
    %c0_i32_0 = arith.constant 0 : i32
    %c0_i32_1 = arith.constant 0 : i32
    return %c0_i32, %c0_i32_0 : i32, i32
  }
}

module attributes {stable_mosaic.version = 14 : i64} {
  func.func @_dt1_body(%arg0: i32, %arg1: i32, %arg2: memref<1x58x58x64xf32, #tpu.memory_space<vmem>>, %arg3: memref<9x64x128xf32, #tpu.memory_space<vmem>>, %arg4: memref<1x128xf32, #tpu.memory_space<vmem>>, %arg5: memref<1x784x128xf32, #tpu.memory_space<vmem>>) attributes {dimension_semantics = [#tpu.dimension_semantics<parallel>, #tpu.dimension_semantics<arbitrary>], iteration_bounds = array<i64: 8, 4>, scalar_prefetch = 0 : i64, scratch_operands = 0 : i64, tpu.core_type = #tpu.core_type<tc>, window_params = [{transform_indices = @transform_0, window_bounds = array<i64: 1, 58, 58, 64>}, {pipeline_mode = #tpu.pipeline_mode<synchronous>, transform_indices = @transform_1, window_bounds = array<i64: 9, 64, 128>}, {pipeline_mode = #tpu.pipeline_mode<synchronous>, transform_indices = @transform_2, window_bounds = array<i64: 1, 128>}, {transform_indices = @transform_3, window_bounds = array<i64: 1, 784, 128>}]} {
    %broadcast_in_dim3A = arith.constant 0.000000e+00 : f32
    %broadcast_in_dim3A_0 = vector.broadcast %broadcast_in_dim3A : f32 to vector<784x128xf32>
    %mul3A = arith.constant 14 : i32
    %mul3A_1 = arith.muli %mul3A, %arg1 : i32
    %add3A = arith.constant 0 : i32
    %add3A_2 = arith.addi %mul3A_1, %add3A : i32
    %get3A = arith.constant 0 : index
    %get3A_3 = arith.index_cast %add3A_2 : i32 to index
    %get3A_4 = arith.constant 0 : index
    %get3A_5 = arith.constant 0 : index
    %get3A_6 = vector.load %arg2[%get3A, %get3A_3, %get3A_4, %get3A_5] : memref<1x58x58x64xf32, #tpu.memory_space<vmem>>, vector<1x14x56x64xf32>
    %get3A_7 = vector.shape_cast %get3A_6 : vector<1x14x56x64xf32> to vector<14x56x64xf32>
    %reshape3A = vector.shape_cast %get3A_7 : vector<14x56x64xf32> to vector<784x64xf32>
    %max3A = arith.constant 0.000000e+00 : f32
    %max3A_8 = vector.broadcast %max3A : f32 to vector<784x64xf32>
    %max3A_9 = arith.maximumf %reshape3A, %max3A_8 : vector<784x64xf32>
    %get3A_10 = arith.constant 0 : index
    %get3A_11 = arith.constant 0 : index
    %get3A_12 = arith.constant 0 : index
    %get3A_13 = vector.load %arg3[%get3A_10, %get3A_11, %get3A_12] : memref<9x64x128xf32, #tpu.memory_space<vmem>>, vector<1x64x128xf32>
    %get3A_14 = vector.shape_cast %get3A_13 : vector<1x64x128xf32> to vector<64x128xf32>
    %dot_general3A = arith.constant dense<0.000000e+00> : vector<784x128xf32>
    %dot_general3A_15 = tpu.matmul %max3A_9, %get3A_14, %dot_general3A {dimension_numbers = #tpu.dot_dimension_numbers<[1], [0], [0], [1], [0, 0, 1, 1], [], []>, transpose_lhs_hint = false} : vector<784x64xf32>, vector<64x128xf32>, vector<784x128xf32> -> vector<784x128xf32>
    %add3A_16 = arith.addf %broadcast_in_dim3A_0, %dot_general3A_15 : vector<784x128xf32>
    %mul3A_17 = arith.constant 14 : i32
    %mul3A_18 = arith.muli %mul3A_17, %arg1 : i32
    %add3A_19 = arith.constant 0 : i32
    %add3A_20 = arith.addi %mul3A_18, %add3A_19 : i32
    %get3A_21 = arith.constant 0 : index
    %get3A_22 = arith.index_cast %add3A_20 : i32 to index
    %get3A_23 = arith.constant 1 : index
    %get3A_24 = arith.constant 0 : index
    %get3A_25 = vector.load %arg2[%get3A_21, %get3A_22, %get3A_23, %get3A_24] : memref<1x58x58x64xf32, #tpu.memory_space<vmem>>, vector<1x14x56x64xf32>
    %get3A_26 = vector.shape_cast %get3A_25 : vector<1x14x56x64xf32> to vector<14x56x64xf32>
    %reshape3A_27 = vector.shape_cast %get3A_26 : vector<14x56x64xf32> to vector<784x64xf32>
    %max3A_28 = arith.constant 0.000000e+00 : f32
    %max3A_29 = vector.broadcast %max3A_28 : f32 to vector<784x64xf32>
    %max3A_30 = arith.maximumf %reshape3A_27, %max3A_29 : vector<784x64xf32>
    %get3A_31 = arith.constant 1 : index
    %get3A_32 = arith.constant 0 : index
    %get3A_33 = arith.constant 0 : index
    %get3A_34 = vector.load %arg3[%get3A_31, %get3A_32, %get3A_33] : memref<9x64x128xf32, #tpu.memory_space<vmem>>, vector<1x64x128xf32>
    %get3A_35 = vector.shape_cast %get3A_34 : vector<1x64x128xf32> to vector<64x128xf32>
    %dot_general3A_36 = arith.constant dense<0.000000e+00> : vector<784x128xf32>
    %dot_general3A_37 = tpu.matmul %max3A_30, %get3A_35, %dot_general3A_36 {dimension_numbers = #tpu.dot_dimension_numbers<[1], [0], [0], [1], [0, 0, 1, 1], [], []>, transpose_lhs_hint = false} : vector<784x64xf32>, vector<64x128xf32>, vector<784x128xf32> -> vector<784x128xf32>
    %add3A_38 = arith.addf %add3A_16, %dot_general3A_37 : vector<784x128xf32>
    %mul3A_39 = arith.constant 14 : i32
    %mul3A_40 = arith.muli %mul3A_39, %arg1 : i32
    %add3A_41 = arith.constant 0 : i32
    %add3A_42 = arith.addi %mul3A_40, %add3A_41 : i32
    %get3A_43 = arith.constant 0 : index
    %get3A_44 = arith.index_cast %add3A_42 : i32 to index
    %get3A_45 = arith.constant 2 : index
    %get3A_46 = arith.constant 0 : index
    %get3A_47 = vector.load %arg2[%get3A_43, %get3A_44, %get3A_45, %get3A_46] : memref<1x58x58x64xf32, #tpu.memory_space<vmem>>, vector<1x14x56x64xf32>
    %get3A_48 = vector.shape_cast %get3A_47 : vector<1x14x56x64xf32> to vector<14x56x64xf32>
    %reshape3A_49 = vector.shape_cast %get3A_48 : vector<14x56x64xf32> to vector<784x64xf32>
    %max3A_50 = arith.constant 0.000000e+00 : f32
    %max3A_51 = vector.broadcast %max3A_50 : f32 to vector<784x64xf32>
    %max3A_52 = arith.maximumf %reshape3A_49, %max3A_51 : vector<784x64xf32>
    %get3A_53 = arith.constant 2 : index
    %get3A_54 = arith.constant 0 : index
    %get3A_55 = arith.constant 0 : index
    %get3A_56 = vector.load %arg3[%get3A_53, %get3A_54, %get3A_55] : memref<9x64x128xf32, #tpu.memory_space<vmem>>, vector<1x64x128xf32>
    %get3A_57 = vector.shape_cast %get3A_56 : vector<1x64x128xf32> to vector<64x128xf32>
    %dot_general3A_58 = arith.constant dense<0.000000e+00> : vector<784x128xf32>
    %dot_general3A_59 = tpu.matmul %max3A_52, %get3A_57, %dot_general3A_58 {dimension_numbers = #tpu.dot_dimension_numbers<[1], [0], [0], [1], [0, 0, 1, 1], [], []>, transpose_lhs_hint = false} : vector<784x64xf32>, vector<64x128xf32>, vector<784x128xf32> -> vector<784x128xf32>
    %add3A_60 = arith.addf %add3A_38, %dot_general3A_59 : vector<784x128xf32>
    %mul3A_61 = arith.constant 14 : i32
    %mul3A_62 = arith.muli %mul3A_61, %arg1 : i32
    %add3A_63 = arith.constant 1 : i32
    %add3A_64 = arith.addi %mul3A_62, %add3A_63 : i32
    %get3A_65 = arith.constant 0 : index
    %get3A_66 = arith.index_cast %add3A_64 : i32 to index
    %get3A_67 = arith.constant 0 : index
    %get3A_68 = arith.constant 0 : index
    %get3A_69 = vector.load %arg2[%get3A_65, %get3A_66, %get3A_67, %get3A_68] : memref<1x58x58x64xf32, #tpu.memory_space<vmem>>, vector<1x14x56x64xf32>
    %get3A_70 = vector.shape_cast %get3A_69 : vector<1x14x56x64xf32> to vector<14x56x64xf32>
    %reshape3A_71 = vector.shape_cast %get3A_70 : vector<14x56x64xf32> to vector<784x64xf32>
    %max3A_72 = arith.constant 0.000000e+00 : f32
    %max3A_73 = vector.broadcast %max3A_72 : f32 to vector<784x64xf32>
    %max3A_74 = arith.maximumf %reshape3A_71, %max3A_73 : vector<784x64xf32>
    %get3A_75 = arith.constant 3 : index
    %get3A_76 = arith.constant 0 : index
    %get3A_77 = arith.constant 0 : index
    %get3A_78 = vector.load %arg3[%get3A_75, %get3A_76, %get3A_77] : memref<9x64x128xf32, #tpu.memory_space<vmem>>, vector<1x64x128xf32>
    %get3A_79 = vector.shape_cast %get3A_78 : vector<1x64x128xf32> to vector<64x128xf32>
    %dot_general3A_80 = arith.constant dense<0.000000e+00> : vector<784x128xf32>
    %dot_general3A_81 = tpu.matmul %max3A_74, %get3A_79, %dot_general3A_80 {dimension_numbers = #tpu.dot_dimension_numbers<[1], [0], [0], [1], [0, 0, 1, 1], [], []>, transpose_lhs_hint = false} : vector<784x64xf32>, vector<64x128xf32>, vector<784x128xf32> -> vector<784x128xf32>
    %add3A_82 = arith.addf %add3A_60, %dot_general3A_81 : vector<784x128xf32>
    %mul3A_83 = arith.constant 14 : i32
    %mul3A_84 = arith.muli %mul3A_83, %arg1 : i32
    %add3A_85 = arith.constant 1 : i32
    %add3A_86 = arith.addi %mul3A_84, %add3A_85 : i32
    %get3A_87 = arith.constant 0 : index
    %get3A_88 = arith.index_cast %add3A_86 : i32 to index
    %get3A_89 = arith.constant 1 : index
    %get3A_90 = arith.constant 0 : index
    %get3A_91 = vector.load %arg2[%get3A_87, %get3A_88, %get3A_89, %get3A_90] : memref<1x58x58x64xf32, #tpu.memory_space<vmem>>, vector<1x14x56x64xf32>
    %get3A_92 = vector.shape_cast %get3A_91 : vector<1x14x56x64xf32> to vector<14x56x64xf32>
    %reshape3A_93 = vector.shape_cast %get3A_92 : vector<14x56x64xf32> to vector<784x64xf32>
    %max3A_94 = arith.constant 0.000000e+00 : f32
    %max3A_95 = vector.broadcast %max3A_94 : f32 to vector<784x64xf32>
    %max3A_96 = arith.maximumf %reshape3A_93, %max3A_95 : vector<784x64xf32>
    %get3A_97 = arith.constant 4 : index
    %get3A_98 = arith.constant 0 : index
    %get3A_99 = arith.constant 0 : index
    %get3A_100 = vector.load %arg3[%get3A_97, %get3A_98, %get3A_99] : memref<9x64x128xf32, #tpu.memory_space<vmem>>, vector<1x64x128xf32>
    %get3A_101 = vector.shape_cast %get3A_100 : vector<1x64x128xf32> to vector<64x128xf32>
    %dot_general3A_102 = arith.constant dense<0.000000e+00> : vector<784x128xf32>
    %dot_general3A_103 = tpu.matmul %max3A_96, %get3A_101, %dot_general3A_102 {dimension_numbers = #tpu.dot_dimension_numbers<[1], [0], [0], [1], [0, 0, 1, 1], [], []>, transpose_lhs_hint = false} : vector<784x64xf32>, vector<64x128xf32>, vector<784x128xf32> -> vector<784x128xf32>
    %add3A_104 = arith.addf %add3A_82, %dot_general3A_103 : vector<784x128xf32>
    %mul3A_105 = arith.constant 14 : i32
    %mul3A_106 = arith.muli %mul3A_105, %arg1 : i32
    %add3A_107 = arith.constant 1 : i32
    %add3A_108 = arith.addi %mul3A_106, %add3A_107 : i32
    %get3A_109 = arith.constant 0 : index
    %get3A_110 = arith.index_cast %add3A_108 : i32 to index
    %get3A_111 = arith.constant 2 : index
    %get3A_112 = arith.constant 0 : index
    %get3A_113 = vector.load %arg2[%get3A_109, %get3A_110, %get3A_111, %get3A_112] : memref<1x58x58x64xf32, #tpu.memory_space<vmem>>, vector<1x14x56x64xf32>
    %get3A_114 = vector.shape_cast %get3A_113 : vector<1x14x56x64xf32> to vector<14x56x64xf32>
    %reshape3A_115 = vector.shape_cast %get3A_114 : vector<14x56x64xf32> to vector<784x64xf32>
    %max3A_116 = arith.constant 0.000000e+00 : f32
    %max3A_117 = vector.broadcast %max3A_116 : f32 to vector<784x64xf32>
    %max3A_118 = arith.maximumf %reshape3A_115, %max3A_117 : vector<784x64xf32>
    %get3A_119 = arith.constant 5 : index
    %get3A_120 = arith.constant 0 : index
    %get3A_121 = arith.constant 0 : index
    %get3A_122 = vector.load %arg3[%get3A_119, %get3A_120, %get3A_121] : memref<9x64x128xf32, #tpu.memory_space<vmem>>, vector<1x64x128xf32>
    %get3A_123 = vector.shape_cast %get3A_122 : vector<1x64x128xf32> to vector<64x128xf32>
    %dot_general3A_124 = arith.constant dense<0.000000e+00> : vector<784x128xf32>
    %dot_general3A_125 = tpu.matmul %max3A_118, %get3A_123, %dot_general3A_124 {dimension_numbers = #tpu.dot_dimension_numbers<[1], [0], [0], [1], [0, 0, 1, 1], [], []>, transpose_lhs_hint = false} : vector<784x64xf32>, vector<64x128xf32>, vector<784x128xf32> -> vector<784x128xf32>
    %add3A_126 = arith.addf %add3A_104, %dot_general3A_125 : vector<784x128xf32>
    %mul3A_127 = arith.constant 14 : i32
    %mul3A_128 = arith.muli %mul3A_127, %arg1 : i32
    %add3A_129 = arith.constant 2 : i32
    %add3A_130 = arith.addi %mul3A_128, %add3A_129 : i32
    %get3A_131 = arith.constant 0 : index
    %get3A_132 = arith.index_cast %add3A_130 : i32 to index
    %get3A_133 = arith.constant 0 : index
    %get3A_134 = arith.constant 0 : index
    %get3A_135 = vector.load %arg2[%get3A_131, %get3A_132, %get3A_133, %get3A_134] : memref<1x58x58x64xf32, #tpu.memory_space<vmem>>, vector<1x14x56x64xf32>
    %get3A_136 = vector.shape_cast %get3A_135 : vector<1x14x56x64xf32> to vector<14x56x64xf32>
    %reshape3A_137 = vector.shape_cast %get3A_136 : vector<14x56x64xf32> to vector<784x64xf32>
    %max3A_138 = arith.constant 0.000000e+00 : f32
    %max3A_139 = vector.broadcast %max3A_138 : f32 to vector<784x64xf32>
    %max3A_140 = arith.maximumf %reshape3A_137, %max3A_139 : vector<784x64xf32>
    %get3A_141 = arith.constant 6 : index
    %get3A_142 = arith.constant 0 : index
    %get3A_143 = arith.constant 0 : index
    %get3A_144 = vector.load %arg3[%get3A_141, %get3A_142, %get3A_143] : memref<9x64x128xf32, #tpu.memory_space<vmem>>, vector<1x64x128xf32>
    %get3A_145 = vector.shape_cast %get3A_144 : vector<1x64x128xf32> to vector<64x128xf32>
    %dot_general3A_146 = arith.constant dense<0.000000e+00> : vector<784x128xf32>
    %dot_general3A_147 = tpu.matmul %max3A_140, %get3A_145, %dot_general3A_146 {dimension_numbers = #tpu.dot_dimension_numbers<[1], [0], [0], [1], [0, 0, 1, 1], [], []>, transpose_lhs_hint = false} : vector<784x64xf32>, vector<64x128xf32>, vector<784x128xf32> -> vector<784x128xf32>
    %add3A_148 = arith.addf %add3A_126, %dot_general3A_147 : vector<784x128xf32>
    %mul3A_149 = arith.constant 14 : i32
    %mul3A_150 = arith.muli %mul3A_149, %arg1 : i32
    %add3A_151 = arith.constant 2 : i32
    %add3A_152 = arith.addi %mul3A_150, %add3A_151 : i32
    %get3A_153 = arith.constant 0 : index
    %get3A_154 = arith.index_cast %add3A_152 : i32 to index
    %get3A_155 = arith.constant 1 : index
    %get3A_156 = arith.constant 0 : index
    %get3A_157 = vector.load %arg2[%get3A_153, %get3A_154, %get3A_155, %get3A_156] : memref<1x58x58x64xf32, #tpu.memory_space<vmem>>, vector<1x14x56x64xf32>
    %get3A_158 = vector.shape_cast %get3A_157 : vector<1x14x56x64xf32> to vector<14x56x64xf32>
    %reshape3A_159 = vector.shape_cast %get3A_158 : vector<14x56x64xf32> to vector<784x64xf32>
    %max3A_160 = arith.constant 0.000000e+00 : f32
    %max3A_161 = vector.broadcast %max3A_160 : f32 to vector<784x64xf32>
    %max3A_162 = arith.maximumf %reshape3A_159, %max3A_161 : vector<784x64xf32>
    %get3A_163 = arith.constant 7 : index
    %get3A_164 = arith.constant 0 : index
    %get3A_165 = arith.constant 0 : index
    %get3A_166 = vector.load %arg3[%get3A_163, %get3A_164, %get3A_165] : memref<9x64x128xf32, #tpu.memory_space<vmem>>, vector<1x64x128xf32>
    %get3A_167 = vector.shape_cast %get3A_166 : vector<1x64x128xf32> to vector<64x128xf32>
    %dot_general3A_168 = arith.constant dense<0.000000e+00> : vector<784x128xf32>
    %dot_general3A_169 = tpu.matmul %max3A_162, %get3A_167, %dot_general3A_168 {dimension_numbers = #tpu.dot_dimension_numbers<[1], [0], [0], [1], [0, 0, 1, 1], [], []>, transpose_lhs_hint = false} : vector<784x64xf32>, vector<64x128xf32>, vector<784x128xf32> -> vector<784x128xf32>
    %add3A_170 = arith.addf %add3A_148, %dot_general3A_169 : vector<784x128xf32>
    %mul3A_171 = arith.constant 14 : i32
    %mul3A_172 = arith.muli %mul3A_171, %arg1 : i32
    %add3A_173 = arith.constant 2 : i32
    %add3A_174 = arith.addi %mul3A_172, %add3A_173 : i32
    %get3A_175 = arith.constant 0 : index
    %get3A_176 = arith.index_cast %add3A_174 : i32 to index
    %get3A_177 = arith.constant 2 : index
    %get3A_178 = arith.constant 0 : index
    %get3A_179 = vector.load %arg2[%get3A_175, %get3A_176, %get3A_177, %get3A_178] : memref<1x58x58x64xf32, #tpu.memory_space<vmem>>, vector<1x14x56x64xf32>
    %get3A_180 = vector.shape_cast %get3A_179 : vector<1x14x56x64xf32> to vector<14x56x64xf32>
    %reshape3A_181 = vector.shape_cast %get3A_180 : vector<14x56x64xf32> to vector<784x64xf32>
    %max3A_182 = arith.constant 0.000000e+00 : f32
    %max3A_183 = vector.broadcast %max3A_182 : f32 to vector<784x64xf32>
    %max3A_184 = arith.maximumf %reshape3A_181, %max3A_183 : vector<784x64xf32>
    %get3A_185 = arith.constant 8 : index
    %get3A_186 = arith.constant 0 : index
    %get3A_187 = arith.constant 0 : index
    %get3A_188 = vector.load %arg3[%get3A_185, %get3A_186, %get3A_187] : memref<9x64x128xf32, #tpu.memory_space<vmem>>, vector<1x64x128xf32>
    %get3A_189 = vector.shape_cast %get3A_188 : vector<1x64x128xf32> to vector<64x128xf32>
    %dot_general3A_190 = arith.constant dense<0.000000e+00> : vector<784x128xf32>
    %dot_general3A_191 = tpu.matmul %max3A_184, %get3A_189, %dot_general3A_190 {dimension_numbers = #tpu.dot_dimension_numbers<[1], [0], [0], [1], [0, 0, 1, 1], [], []>, transpose_lhs_hint = false} : vector<784x64xf32>, vector<64x128xf32>, vector<784x128xf32> -> vector<784x128xf32>
    %add3A_192 = arith.addf %add3A_170, %dot_general3A_191 : vector<784x128xf32>
    %get3A_193 = arith.constant 0 : index
    %get3A_194 = arith.constant 0 : index
    %get3A_195 = vector.load %arg4[%get3A_193, %get3A_194] : memref<1x128xf32, #tpu.memory_space<vmem>>, vector<1x128xf32>
    %add3A_196 = vector.broadcast %get3A_195 : vector<1x128xf32> to vector<784x128xf32>
    %add3A_197 = arith.addf %add3A_192, %add3A_196 : vector<784x128xf32>
    %max3A_198 = arith.constant 0.000000e+00 : f32
    %max3A_199 = vector.broadcast %max3A_198 : f32 to vector<784x128xf32>
    %max3A_200 = arith.maximumf %add3A_197, %max3A_199 : vector<784x128xf32>
    %swap3A = arith.constant 0 : index
    %swap3A_201 = arith.constant 0 : index
    %swap3A_202 = arith.constant 0 : index
    %swap3A_203 = vector.load %arg5[%swap3A, %swap3A_201, %swap3A_202] : memref<1x784x128xf32, #tpu.memory_space<vmem>>, vector<1x784x128xf32>
    %swap3A_204 = vector.shape_cast %swap3A_203 : vector<1x784x128xf32> to vector<784x128xf32>
    %swap3A_205 = vector.shape_cast %max3A_200 : vector<784x128xf32> to vector<1x784x128xf32>
    tpu.vector_store %arg5[%swap3A, %swap3A_201, %swap3A_202], %swap3A_205 {strides = array<i32>} : memref<1x784x128xf32, #tpu.memory_space<vmem>>, vector<1x784x128xf32>,
    return
  }
  func.func @transform_0(%arg0: i32, %arg1: i32) -> (i32, i32, i32, i32) {
    %c0_i32 = arith.constant 0 : i32
    %c0_i32_0 = arith.constant 0 : i32
    %c0_i32_1 = arith.constant 0 : i32
    %c0_i32_2 = arith.constant 0 : i32
    return %arg0, %c0_i32, %c0_i32_0, %c0_i32_1 : i32, i32, i32, i32
  }
  func.func @transform_1(%arg0: i32, %arg1: i32) -> (i32, i32, i32) {
    %c0_i32 = arith.constant 0 : i32
    %c0_i32_0 = arith.constant 0 : i32
    %c0_i32_1 = arith.constant 0 : i32
    %c0_i32_2 = arith.constant 0 : i32
    return %c0_i32, %c0_i32_0, %c0_i32_1 : i32, i32, i32
  }
  func.func @transform_2(%arg0: i32, %arg1: i32) -> (i32, i32) {
    %c0_i32 = arith.constant 0 : i32
    %c0_i32_0 = arith.constant 0 : i32
    %c0_i32_1 = arith.constant 0 : i32
    return %c0_i32, %c0_i32_0 : i32, i32
  }
  func.func @transform_3(%arg0: i32, %arg1: i32) -> (i32, i32, i32) {
    %c0_i32 = arith.constant 0 : i32
    %c0_i32_0 = arith.constant 0 : i32
    return %arg0, %arg1, %c0_i32 : i32, i32, i32
  }
}

module attributes {stable_mosaic.version = 14 : i64} {
  func.func @_dt2_body(%arg0: i32, %arg1: i32, %arg2: memref<1x114x114x32xf32, #tpu.memory_space<vmem>>, %arg3: memref<9x32x32xf32, #tpu.memory_space<vmem>>, %arg4: memref<1x32xf32, #tpu.memory_space<vmem>>, %arg5: memref<1x1568x32xf32, #tpu.memory_space<vmem>>) attributes {dimension_semantics = [#tpu.dimension_semantics<parallel>, #tpu.dimension_semantics<arbitrary>], iteration_bounds = array<i64: 8, 8>, scalar_prefetch = 0 : i64, scratch_operands = 0 : i64, tpu.core_type = #tpu.core_type<tc>, window_params = [{transform_indices = @transform_0, window_bounds = array<i64: 1, 114, 114, 32>}, {pipeline_mode = #tpu.pipeline_mode<synchronous>, transform_indices = @transform_1, window_bounds = array<i64: 9, 32, 32>}, {pipeline_mode = #tpu.pipeline_mode<synchronous>, transform_indices = @transform_2, window_bounds = array<i64: 1, 32>}, {transform_indices = @transform_3, window_bounds = array<i64: 1, 1568, 32>}]} {
    %broadcast_in_dim3A = arith.constant 0.000000e+00 : f32
    %broadcast_in_dim3A_0 = vector.broadcast %broadcast_in_dim3A : f32 to vector<1568x32xf32>
    %mul3A = arith.constant 14 : i32
    %mul3A_1 = arith.muli %mul3A, %arg1 : i32
    %add3A = arith.constant 0 : i32
    %add3A_2 = arith.addi %mul3A_1, %add3A : i32
    %get3A = arith.constant 0 : index
    %get3A_3 = arith.index_cast %add3A_2 : i32 to index
    %get3A_4 = arith.constant 0 : index
    %get3A_5 = arith.constant 0 : index
    %get3A_6 = vector.load %arg2[%get3A, %get3A_3, %get3A_4, %get3A_5] : memref<1x114x114x32xf32, #tpu.memory_space<vmem>>, vector<1x14x112x32xf32>
    %get3A_7 = vector.shape_cast %get3A_6 : vector<1x14x112x32xf32> to vector<14x112x32xf32>
    %reshape3A = vector.shape_cast %get3A_7 : vector<14x112x32xf32> to vector<1568x32xf32>
    %get3A_8 = arith.constant 0 : index
    %get3A_9 = arith.constant 0 : index
    %get3A_10 = arith.constant 0 : index
    %get3A_11 = vector.load %arg3[%get3A_8, %get3A_9, %get3A_10] : memref<9x32x32xf32, #tpu.memory_space<vmem>>, vector<1x32x32xf32>
    %get3A_12 = vector.shape_cast %get3A_11 : vector<1x32x32xf32> to vector<32x32xf32>
    %dot_general3A = arith.constant dense<0.000000e+00> : vector<1568x32xf32>
    %dot_general3A_13 = tpu.matmul %reshape3A, %get3A_12, %dot_general3A {dimension_numbers = #tpu.dot_dimension_numbers<[1], [0], [0], [1], [0, 0, 1, 1], [], []>, transpose_lhs_hint = false} : vector<1568x32xf32>, vector<32x32xf32>, vector<1568x32xf32> -> vector<1568x32xf32>
    %add3A_14 = arith.addf %broadcast_in_dim3A_0, %dot_general3A_13 : vector<1568x32xf32>
    %mul3A_15 = arith.constant 14 : i32
    %mul3A_16 = arith.muli %mul3A_15, %arg1 : i32
    %add3A_17 = arith.constant 0 : i32
    %add3A_18 = arith.addi %mul3A_16, %add3A_17 : i32
    %get3A_19 = arith.constant 0 : index
    %get3A_20 = arith.index_cast %add3A_18 : i32 to index
    %get3A_21 = arith.constant 1 : index
    %get3A_22 = arith.constant 0 : index
    %get3A_23 = vector.load %arg2[%get3A_19, %get3A_20, %get3A_21, %get3A_22] : memref<1x114x114x32xf32, #tpu.memory_space<vmem>>, vector<1x14x112x32xf32>
    %get3A_24 = vector.shape_cast %get3A_23 : vector<1x14x112x32xf32> to vector<14x112x32xf32>
    %reshape3A_25 = vector.shape_cast %get3A_24 : vector<14x112x32xf32> to vector<1568x32xf32>
    %get3A_26 = arith.constant 1 : index
    %get3A_27 = arith.constant 0 : index
    %get3A_28 = arith.constant 0 : index
    %get3A_29 = vector.load %arg3[%get3A_26, %get3A_27, %get3A_28] : memref<9x32x32xf32, #tpu.memory_space<vmem>>, vector<1x32x32xf32>
    %get3A_30 = vector.shape_cast %get3A_29 : vector<1x32x32xf32> to vector<32x32xf32>
    %dot_general3A_31 = arith.constant dense<0.000000e+00> : vector<1568x32xf32>
    %dot_general3A_32 = tpu.matmul %reshape3A_25, %get3A_30, %dot_general3A_31 {dimension_numbers = #tpu.dot_dimension_numbers<[1], [0], [0], [1], [0, 0, 1, 1], [], []>, transpose_lhs_hint = false} : vector<1568x32xf32>, vector<32x32xf32>, vector<1568x32xf32> -> vector<1568x32xf32>
    %add3A_33 = arith.addf %add3A_14, %dot_general3A_32 : vector<1568x32xf32>
    %mul3A_34 = arith.constant 14 : i32
    %mul3A_35 = arith.muli %mul3A_34, %arg1 : i32
    %add3A_36 = arith.constant 0 : i32
    %add3A_37 = arith.addi %mul3A_35, %add3A_36 : i32
    %get3A_38 = arith.constant 0 : index
    %get3A_39 = arith.index_cast %add3A_37 : i32 to index
    %get3A_40 = arith.constant 2 : index
    %get3A_41 = arith.constant 0 : index
    %get3A_42 = vector.load %arg2[%get3A_38, %get3A_39, %get3A_40, %get3A_41] : memref<1x114x114x32xf32, #tpu.memory_space<vmem>>, vector<1x14x112x32xf32>
    %get3A_43 = vector.shape_cast %get3A_42 : vector<1x14x112x32xf32> to vector<14x112x32xf32>
    %reshape3A_44 = vector.shape_cast %get3A_43 : vector<14x112x32xf32> to vector<1568x32xf32>
    %get3A_45 = arith.constant 2 : index
    %get3A_46 = arith.constant 0 : index
    %get3A_47 = arith.constant 0 : index
    %get3A_48 = vector.load %arg3[%get3A_45, %get3A_46, %get3A_47] : memref<9x32x32xf32, #tpu.memory_space<vmem>>, vector<1x32x32xf32>
    %get3A_49 = vector.shape_cast %get3A_48 : vector<1x32x32xf32> to vector<32x32xf32>
    %dot_general3A_50 = arith.constant dense<0.000000e+00> : vector<1568x32xf32>
    %dot_general3A_51 = tpu.matmul %reshape3A_44, %get3A_49, %dot_general3A_50 {dimension_numbers = #tpu.dot_dimension_numbers<[1], [0], [0], [1], [0, 0, 1, 1], [], []>, transpose_lhs_hint = false} : vector<1568x32xf32>, vector<32x32xf32>, vector<1568x32xf32> -> vector<1568x32xf32>
    %add3A_52 = arith.addf %add3A_33, %dot_general3A_51 : vector<1568x32xf32>
    %mul3A_53 = arith.constant 14 : i32
    %mul3A_54 = arith.muli %mul3A_53, %arg1 : i32
    %add3A_55 = arith.constant 1 : i32
    %add3A_56 = arith.addi %mul3A_54, %add3A_55 : i32
    %get3A_57 = arith.constant 0 : index
    %get3A_58 = arith.index_cast %add3A_56 : i32 to index
    %get3A_59 = arith.constant 0 : index
    %get3A_60 = arith.constant 0 : index
    %get3A_61 = vector.load %arg2[%get3A_57, %get3A_58, %get3A_59, %get3A_60] : memref<1x114x114x32xf32, #tpu.memory_space<vmem>>, vector<1x14x112x32xf32>
    %get3A_62 = vector.shape_cast %get3A_61 : vector<1x14x112x32xf32> to vector<14x112x32xf32>
    %reshape3A_63 = vector.shape_cast %get3A_62 : vector<14x112x32xf32> to vector<1568x32xf32>
    %get3A_64 = arith.constant 3 : index
    %get3A_65 = arith.constant 0 : index
    %get3A_66 = arith.constant 0 : index
    %get3A_67 = vector.load %arg3[%get3A_64, %get3A_65, %get3A_66] : memref<9x32x32xf32, #tpu.memory_space<vmem>>, vector<1x32x32xf32>
    %get3A_68 = vector.shape_cast %get3A_67 : vector<1x32x32xf32> to vector<32x32xf32>
    %dot_general3A_69 = arith.constant dense<0.000000e+00> : vector<1568x32xf32>
    %dot_general3A_70 = tpu.matmul %reshape3A_63, %get3A_68, %dot_general3A_69 {dimension_numbers = #tpu.dot_dimension_numbers<[1], [0], [0], [1], [0, 0, 1, 1], [], []>, transpose_lhs_hint = false} : vector<1568x32xf32>, vector<32x32xf32>, vector<1568x32xf32> -> vector<1568x32xf32>
    %add3A_71 = arith.addf %add3A_52, %dot_general3A_70 : vector<1568x32xf32>
    %mul3A_72 = arith.constant 14 : i32
    %mul3A_73 = arith.muli %mul3A_72, %arg1 : i32
    %add3A_74 = arith.constant 1 : i32
    %add3A_75 = arith.addi %mul3A_73, %add3A_74 : i32
    %get3A_76 = arith.constant 0 : index
    %get3A_77 = arith.index_cast %add3A_75 : i32 to index
    %get3A_78 = arith.constant 1 : index
    %get3A_79 = arith.constant 0 : index
    %get3A_80 = vector.load %arg2[%get3A_76, %get3A_77, %get3A_78, %get3A_79] : memref<1x114x114x32xf32, #tpu.memory_space<vmem>>, vector<1x14x112x32xf32>
    %get3A_81 = vector.shape_cast %get3A_80 : vector<1x14x112x32xf32> to vector<14x112x32xf32>
    %reshape3A_82 = vector.shape_cast %get3A_81 : vector<14x112x32xf32> to vector<1568x32xf32>
    %get3A_83 = arith.constant 4 : index
    %get3A_84 = arith.constant 0 : index
    %get3A_85 = arith.constant 0 : index
    %get3A_86 = vector.load %arg3[%get3A_83, %get3A_84, %get3A_85] : memref<9x32x32xf32, #tpu.memory_space<vmem>>, vector<1x32x32xf32>
    %get3A_87 = vector.shape_cast %get3A_86 : vector<1x32x32xf32> to vector<32x32xf32>
    %dot_general3A_88 = arith.constant dense<0.000000e+00> : vector<1568x32xf32>
    %dot_general3A_89 = tpu.matmul %reshape3A_82, %get3A_87, %dot_general3A_88 {dimension_numbers = #tpu.dot_dimension_numbers<[1], [0], [0], [1], [0, 0, 1, 1], [], []>, transpose_lhs_hint = false} : vector<1568x32xf32>, vector<32x32xf32>, vector<1568x32xf32> -> vector<1568x32xf32>
    %add3A_90 = arith.addf %add3A_71, %dot_general3A_89 : vector<1568x32xf32>
    %mul3A_91 = arith.constant 14 : i32
    %mul3A_92 = arith.muli %mul3A_91, %arg1 : i32
    %add3A_93 = arith.constant 1 : i32
    %add3A_94 = arith.addi %mul3A_92, %add3A_93 : i32
    %get3A_95 = arith.constant 0 : index
    %get3A_96 = arith.index_cast %add3A_94 : i32 to index
    %get3A_97 = arith.constant 2 : index
    %get3A_98 = arith.constant 0 : index
    %get3A_99 = vector.load %arg2[%get3A_95, %get3A_96, %get3A_97, %get3A_98] : memref<1x114x114x32xf32, #tpu.memory_space<vmem>>, vector<1x14x112x32xf32>
    %get3A_100 = vector.shape_cast %get3A_99 : vector<1x14x112x32xf32> to vector<14x112x32xf32>
    %reshape3A_101 = vector.shape_cast %get3A_100 : vector<14x112x32xf32> to vector<1568x32xf32>
    %get3A_102 = arith.constant 5 : index
    %get3A_103 = arith.constant 0 : index
    %get3A_104 = arith.constant 0 : index
    %get3A_105 = vector.load %arg3[%get3A_102, %get3A_103, %get3A_104] : memref<9x32x32xf32, #tpu.memory_space<vmem>>, vector<1x32x32xf32>
    %get3A_106 = vector.shape_cast %get3A_105 : vector<1x32x32xf32> to vector<32x32xf32>
    %dot_general3A_107 = arith.constant dense<0.000000e+00> : vector<1568x32xf32>
    %dot_general3A_108 = tpu.matmul %reshape3A_101, %get3A_106, %dot_general3A_107 {dimension_numbers = #tpu.dot_dimension_numbers<[1], [0], [0], [1], [0, 0, 1, 1], [], []>, transpose_lhs_hint = false} : vector<1568x32xf32>, vector<32x32xf32>, vector<1568x32xf32> -> vector<1568x32xf32>
    %add3A_109 = arith.addf %add3A_90, %dot_general3A_108 : vector<1568x32xf32>
    %mul3A_110 = arith.constant 14 : i32
    %mul3A_111 = arith.muli %mul3A_110, %arg1 : i32
    %add3A_112 = arith.constant 2 : i32
    %add3A_113 = arith.addi %mul3A_111, %add3A_112 : i32
    %get3A_114 = arith.constant 0 : index
    %get3A_115 = arith.index_cast %add3A_113 : i32 to index
    %get3A_116 = arith.constant 0 : index
    %get3A_117 = arith.constant 0 : index
    %get3A_118 = vector.load %arg2[%get3A_114, %get3A_115, %get3A_116, %get3A_117] : memref<1x114x114x32xf32, #tpu.memory_space<vmem>>, vector<1x14x112x32xf32>
    %get3A_119 = vector.shape_cast %get3A_118 : vector<1x14x112x32xf32> to vector<14x112x32xf32>
    %reshape3A_120 = vector.shape_cast %get3A_119 : vector<14x112x32xf32> to vector<1568x32xf32>
    %get3A_121 = arith.constant 6 : index
    %get3A_122 = arith.constant 0 : index
    %get3A_123 = arith.constant 0 : index
    %get3A_124 = vector.load %arg3[%get3A_121, %get3A_122, %get3A_123] : memref<9x32x32xf32, #tpu.memory_space<vmem>>, vector<1x32x32xf32>
    %get3A_125 = vector.shape_cast %get3A_124 : vector<1x32x32xf32> to vector<32x32xf32>
    %dot_general3A_126 = arith.constant dense<0.000000e+00> : vector<1568x32xf32>
    %dot_general3A_127 = tpu.matmul %reshape3A_120, %get3A_125, %dot_general3A_126 {dimension_numbers = #tpu.dot_dimension_numbers<[1], [0], [0], [1], [0, 0, 1, 1], [], []>, transpose_lhs_hint = false} : vector<1568x32xf32>, vector<32x32xf32>, vector<1568x32xf32> -> vector<1568x32xf32>
    %add3A_128 = arith.addf %add3A_109, %dot_general3A_127 : vector<1568x32xf32>
    %mul3A_129 = arith.constant 14 : i32
    %mul3A_130 = arith.muli %mul3A_129, %arg1 : i32
    %add3A_131 = arith.constant 2 : i32
    %add3A_132 = arith.addi %mul3A_130, %add3A_131 : i32
    %get3A_133 = arith.constant 0 : index
    %get3A_134 = arith.index_cast %add3A_132 : i32 to index
    %get3A_135 = arith.constant 1 : index
    %get3A_136 = arith.constant 0 : index
    %get3A_137 = vector.load %arg2[%get3A_133, %get3A_134, %get3A_135, %get3A_136] : memref<1x114x114x32xf32, #tpu.memory_space<vmem>>, vector<1x14x112x32xf32>
    %get3A_138 = vector.shape_cast %get3A_137 : vector<1x14x112x32xf32> to vector<14x112x32xf32>
    %reshape3A_139 = vector.shape_cast %get3A_138 : vector<14x112x32xf32> to vector<1568x32xf32>
    %get3A_140 = arith.constant 7 : index
    %get3A_141 = arith.constant 0 : index
    %get3A_142 = arith.constant 0 : index
    %get3A_143 = vector.load %arg3[%get3A_140, %get3A_141, %get3A_142] : memref<9x32x32xf32, #tpu.memory_space<vmem>>, vector<1x32x32xf32>
    %get3A_144 = vector.shape_cast %get3A_143 : vector<1x32x32xf32> to vector<32x32xf32>
    %dot_general3A_145 = arith.constant dense<0.000000e+00> : vector<1568x32xf32>
    %dot_general3A_146 = tpu.matmul %reshape3A_139, %get3A_144, %dot_general3A_145 {dimension_numbers = #tpu.dot_dimension_numbers<[1], [0], [0], [1], [0, 0, 1, 1], [], []>, transpose_lhs_hint = false} : vector<1568x32xf32>, vector<32x32xf32>, vector<1568x32xf32> -> vector<1568x32xf32>
    %add3A_147 = arith.addf %add3A_128, %dot_general3A_146 : vector<1568x32xf32>
    %mul3A_148 = arith.constant 14 : i32
    %mul3A_149 = arith.muli %mul3A_148, %arg1 : i32
    %add3A_150 = arith.constant 2 : i32
    %add3A_151 = arith.addi %mul3A_149, %add3A_150 : i32
    %get3A_152 = arith.constant 0 : index
    %get3A_153 = arith.index_cast %add3A_151 : i32 to index
    %get3A_154 = arith.constant 2 : index
    %get3A_155 = arith.constant 0 : index
    %get3A_156 = vector.load %arg2[%get3A_152, %get3A_153, %get3A_154, %get3A_155] : memref<1x114x114x32xf32, #tpu.memory_space<vmem>>, vector<1x14x112x32xf32>
    %get3A_157 = vector.shape_cast %get3A_156 : vector<1x14x112x32xf32> to vector<14x112x32xf32>
    %reshape3A_158 = vector.shape_cast %get3A_157 : vector<14x112x32xf32> to vector<1568x32xf32>
    %get3A_159 = arith.constant 8 : index
    %get3A_160 = arith.constant 0 : index
    %get3A_161 = arith.constant 0 : index
    %get3A_162 = vector.load %arg3[%get3A_159, %get3A_160, %get3A_161] : memref<9x32x32xf32, #tpu.memory_space<vmem>>, vector<1x32x32xf32>
    %get3A_163 = vector.shape_cast %get3A_162 : vector<1x32x32xf32> to vector<32x32xf32>
    %dot_general3A_164 = arith.constant dense<0.000000e+00> : vector<1568x32xf32>
    %dot_general3A_165 = tpu.matmul %reshape3A_158, %get3A_163, %dot_general3A_164 {dimension_numbers = #tpu.dot_dimension_numbers<[1], [0], [0], [1], [0, 0, 1, 1], [], []>, transpose_lhs_hint = false} : vector<1568x32xf32>, vector<32x32xf32>, vector<1568x32xf32> -> vector<1568x32xf32>
    %add3A_166 = arith.addf %add3A_147, %dot_general3A_165 : vector<1568x32xf32>
    %get3A_167 = arith.constant 0 : index
    %get3A_168 = arith.constant 0 : index
    %get3A_169 = vector.load %arg4[%get3A_167, %get3A_168] : memref<1x32xf32, #tpu.memory_space<vmem>>, vector<1x32xf32>
    %add3A_170 = vector.broadcast %get3A_169 : vector<1x32xf32> to vector<1568x32xf32>
    %add3A_171 = arith.addf %add3A_166, %add3A_170 : vector<1568x32xf32>
    %swap3A = arith.constant 0 : index
    %swap3A_172 = arith.constant 0 : index
    %swap3A_173 = arith.constant 0 : index
    %swap3A_174 = vector.load %arg5[%swap3A, %swap3A_172, %swap3A_173] : memref<1x1568x32xf32, #tpu.memory_space<vmem>>, vector<1x1568x32xf32>
    %swap3A_175 = vector.shape_cast %swap3A_174 : vector<1x1568x32xf32> to vector<1568x32xf32>
    %swap3A_176 = vector.shape_cast %add3A_171 : vector<1568x32xf32> to vector<1x1568x32xf32>
    tpu.vector_store %arg5[%swap3A, %swap3A_172, %swap3A_173], %swap3A_176 {strides = array<i32>} : memref<1x1568x32xf32, #tpu.memory_space<vmem>>, vector<1x1568x32xf32>,
    return
  }
  func.func @transform_0(%arg0: i32, %arg1: i32) -> (i32, i32, i32, i32) {
    %c0_i32 = arith.constant 0 : i32
    %c0_i32_0 = arith.constant 0 : i32
    %c0_i32_1 = arith.constant 0 : i32
    %c0_i32_2 = arith.constant 0 : i32
    return %arg0, %c0_i32, %c0_i32_0, %c0_i32_1 : i32, i32, i32, i32
  }
  func.func @transform_1(%arg0: i32, %arg1: i32) -> (i32, i32, i32) {
    %c0_i32 = arith.constant 0 : i32
    %c0_i32_0 = arith.constant 0 : i32
    %c0_i32_1 = arith.constant 0 : i32
    %c0_i32_2 = arith.constant 0 : i32
    return %c0_i32, %c0_i32_0, %c0_i32_1 : i32, i32, i32
  }
  func.func @transform_2(%arg0: i32, %arg1: i32) -> (i32, i32) {
    %c0_i32 = arith.constant 0 : i32
    %c0_i32_0 = arith.constant 0 : i32
    %c0_i32_1 = arith.constant 0 : i32
    return %c0_i32, %c0_i32_0 : i32, i32
  }
  func.func @transform_3(%arg0: i32, %arg1: i32) -> (i32, i32, i32) {
    %c0_i32 = arith.constant 0 : i32
    %c0_i32_0 = arith.constant 0 : i32
    return %arg0, %arg1, %c0_i32 : i32, i32, i32
  }
}

</mosaic_0001>

<sc_bundles>
// kernel: kernel.14.cloned.1.call-start
scs
__scs_entry_jumppad:
0x0: {  	(pc) =	sbr.rel $0x88, $3  }
0x1: {  	(tag) =	ssettag $0x0;
	lr =	simm.s32 $0x1  }
0x2: {  	[smem:$0x3F81] =	sst lr;
	_ =	strace $0xD0000000  }
0x3: {  	_ = 	snop  }
0x4: {  	_ = 	snop  }
0x5: {  	_ = 	snop  }
0x6: {  	_ = 	snop  }
0x7: {  	_ = 	snop  }
__scs_overlays_trampoline_lowered:
0x8: {  	[smem:$0x3F90] =	sst s0  }
0x9: {  	[smem:$0x3F91] =	sst s1  }
0xa: {  	[smem:$0x3F92] =	sst s2  }
0xb: {  	[smem:$0x3F93] =	sst s3  }
0xc: {  	[smem:$0x3F94] =	sst s4  }
0xd: {  	[smem:$0x3F95] =	sst s5  }
0xe: {  	[smem:$0x3F96] =	sst s6  }
0xf: {  	[smem:$0x3F97] =	sst s7  }
0x10: {  	[smem:$0x3F98] =	sst s8  }
0x11: {  	[smem:$0x3F99] =	sst s9;
	s0 =	simm.s32 @!p0 $0x0  }
0x12: {  	s1 =	sld [smem:$0x3F7F];
	s0 =	simm.s32 @p0 $0x1  }
0x13: {  	[smem:$0x3F9A] =	sst s0;
	s0 =	simm.s32 @!p1 $0x0  }
0x14: {  	s2 =	sld [smem:$0x3F7E];
	s0 =	simm.s32 @p1 $0x1  }
0x15: {  	[smem:$0x3F9B] =	sst s0;
	s0 =	simm.s32 @!p2 $0x0  }
0x16: {  	s3 =	sld [smem:$0x3FDB];
	s0 =	simm.s32 @p2 $0x1  }
0x17: {  	s4 =	simm.s32 $0x1BF5;
	[smem:$0x3F9D] =	sst s0  }
0x18: {  	s0 =	sld [smem:$0x3F80];
	_ =	swait.ge [sflag:s4], $0x0  }
0x19: {  	s7 =	sld [smem:$0x3F81]  }
0x1a: {  	s8 =	sadd.s32 $0xFFFFE003, lr  }
0x1b: {  	s9 =	sadd.s32 $0xFFFFFEF7, lr;
	s5 =	simm.s32 $0xFFFFFFFF;
	p2 =	slt.u32 s8, $0xFFFFF086  }
0x1c: {  	p1 =	slt.u32 s9, $0xF7A;
	s5 =	simm.s32 @!p2 $0x0  }
0x1d: {  	s5 =	simm.s32 @p1 $0x1;
	p0 =	seq.s32 s7, s2  }
0x1e: {  	s7 =	smul.u32 @!p0 $0xF7A, s2;
	p2 =	seq.s32 @!p0 s5, $0x0  }
0x1f: {  	s9 =	smul.u32 $0xF7A, s1;
	s8 =	simm.s32 @!p0 $0x1BF5;
	p2 =	por !p2, p0  }
0x20: {  	[sflag:s8] =	ssyncset.s32 @!p0 $0xFFFFF086;
	s6 =	sadd.s32 @!p0 s3, s7;
	s7 =	simm.s32 @!p0 $0x108  }
0x21: {  	s3 =	sadd.s32 s3, s9;
	s6 =	sadd.s32 @!p0 $0x88, s6;
	s7 =	simm.s32 @p2 $0x1082  }
0x22: {  	[simem:s7], [sflag:s8] =	dma.local @!p0 [hbm:s6], $0xF7A  }
0x23: {  	s9 =	sor.u32 $0xD0000000, s2;
	s6 =	simm.s32 $0x108;
	_ =	swait.ge @!p0 [sflag:s8], $0x0  }
0x24: {  	s3 =	sadd.s32 $0x88, s3;
	s6 =	simm.s32 @!p1 $0x1082;
	[sflag:s4] =	ssyncset.s32 $0xFFFFF086  }
0x25: {  	[simem:s6], [sflag:s4] =	dma.local [hbm:s3], $0xF7A  }
0x26: {  	[smem:$0x3F81] =	sst s1;
	(tag) =	ssettag s2;
	_ =	strace s9  }
0x27: {  	s1 =	sld [smem:$0x3F91]  }
0x28: {  	s2 =	sld [smem:$0x3F92]  }
0x29: {  	s4 =	sld [smem:$0x3F94]  }
0x2a: {  	p0 =	seq.s32 s5, $0x0;
	s5 =	sld [smem:$0x3F95]  }
0x2b: {  	s6 =	sld [smem:$0x3F96]  }
0x2c: {  	s7 =	sld [smem:$0x3F97]  }
0x2d: {  	s3 =	simm.s32 $0x108;
	s8 =	sld [smem:$0x3F98]  }
0x2e: {  	s3 =	simm.s32 @!p0 $0x1082;
	s9 =	sld [smem:$0x3F99]  }
0x2f: {  	lr =	sadd.s32 s0, s3;
	s0 =	sld [smem:$0x3F90]  }
0x30: {  	s3 =	sld [smem:$0x3F93]  }
0x31: {  	[smem:$0x3F9C] =	sst s10  }
0x32: {  	s10 =	sld [smem:$0x3F9A];
	_ =	sdelay $0x3  }
0x33: {  	p0 =	seq.s32 s10, $0x1;
	s10 =	sld [smem:$0x3F9C];
	_ =	sdelay $0x3  }
0x34: {  	[smem:$0x3F9C] =	sst s10  }
0x35: {  	s10 =	sld [smem:$0x3F9B];
	_ =	sdelay $0x3  }
0x36: {  	p1 =	seq.s32 s10, $0x1;
	s10 =	sld [smem:$0x3F9C];
	_ =	sdelay $0x3  }
0x37: {  	[smem:$0x3F9C] =	sst s10  }
0x38: {  	s10 =	sld [smem:$0x3F9D]  }
0x39: {  	_ = 	snop;
	(pc) =	sbr.ind lr, $3  }
0x3a: {  	_ = 	snop  }
0x3b: {  	_ = 	snop  }
0x3c: {  	p2 =	seq.s32 s10, $0x1;
	s10 =	sld [smem:$0x3F9C]  }
0x3d: {  	_ =	shalt  }
0x3e: {  	_ =	shalt  }
0x3f: {  	_ =	shalt  }
0x40: {  	_ =	shalt  }
0x41: {  	_ =	shalt  }
0x42: {  	_ =	shalt  }
0x43: {  	_ =	shalt  }
0x44: {  	_ =	shalt  }
0x45: {  	_ =	shalt  }
0x46: {  	_ =	shalt  }
0x47: {  	_ =	shalt  }
0x48: {  	_ =	shalt  }
0x49: {  	_ =	shalt  }
0x4a: {  	_ =	shalt  }
0x4b: {  	_ =	shalt  }
0x4c: {  	_ =	shalt  }
0x4d: {  	_ =	shalt  }
0x4e: {  	_ =	shalt  }
0x4f: {  	_ =	shalt  }
0x50: {  	_ =	shalt  }
0x51: {  	_ =	shalt  }
0x52: {  	_ =	shalt  }
0x53: {  	_ =	shalt  }
0x54: {  	_ =	shalt  }
0x55: {  	_ =	shalt  }
0x56: {  	_ =	shalt  }
0x57: {  	_ =	shalt  }
0x58: {  	_ =	shalt  }
0x59: {  	_ =	shalt  }
0x5a: {  	_ =	shalt  }
0x5b: {  	_ =	shalt  }
0x5c: {  	_ =	shalt  }
0x5d: {  	_ =	shalt  }
0x5e: {  	_ =	shalt  }
0x5f: {  	_ =	shalt  }
0x60: {  	_ =	shalt  }
0x61: {  	_ =	shalt  }
0x62: {  	_ =	shalt  }
0x63: {  	_ =	shalt  }
0x64: {  	_ =	shalt  }
0x65: {  	_ =	shalt  }
0x66: {  	_ =	shalt  }
0x67: {  	_ =	shalt  }
0x68: {  	_ =	shalt  }
0x69: {  	_ =	shalt  }
0x6a: {  	_ =	shalt  }
0x6b: {  	_ =	shalt  }
0x6c: {  	_ =	shalt  }
0x6d: {  	_ =	shalt  }
0x6e: {  	_ =	shalt  }
0x6f: {  	_ =	shalt  }
0x70: {  	_ =	shalt  }
0x71: {  	_ =	shalt  }
0x72: {  	_ =	shalt  }
0x73: {  	_ =	shalt  }
0x74: {  	_ =	shalt  }
0x75: {  	_ =	shalt  }
0x76: {  	_ =	shalt  }
0x77: {  	_ =	shalt  }
0x78: {  	_ =	shalt  }
0x79: {  	_ =	shalt  }
0x7a: {  	_ =	shalt  }
0x7b: {  	_ =	shalt  }
0x7c: {  	_ =	shalt  }
0x7d: {  	_ =	shalt  }
0x7e: {  	_ =	shalt  }
0x7f: {  	_ =	shalt  }
0x80: {  	_ =	shalt  }
0x81: {  	_ =	shalt  }
0x82: {  	_ =	shalt  }
0x83: {  	_ =	shalt  }
0x84: {  	_ =	shalt  }
0x85: {  	_ =	shalt  }
0x86: {  	_ =	shalt  }
0x87: {  	_ =	shalt  }
.Lfunc_end0:
.L_simem_size_0:
called_computation_lowered:
.L_overlay_start_0:
0x88: {  	s2 =	sld [smem:$0x3FD9]  }
0x89: {  	s3 =	sld [smem:$0x3FFE];
	_ =	sdelay $0x1  }
0x8a: {  	s1 =	srdreg.scid  }
0x8b: {  	s0 =	sand.u32 $0x1, s1  }
0x8c: {  	s14 =	sshll.u32 s0, $0xA;
	s2 =	sadd.s32 s3, s2  }
0x8d: {  	s2 =	sadd.s32 s2, s14  }
0x8e: {  	[smem:$0x3FA8] =	sst s2  }
0x8f: {  	_ = 	snop  }
0x90: {  	s2 =	sld [smem:$0x3FD0];
	_ =	sdelay $0x2  }
0x91: {  	s15 =	simm.s32 $0xA;
	s4 =	simm.s32 $0x10  }
0x92: {  	[smem:s4], [sflag:s15] =	dma.local [hbm:s2], $0x1  }
0x93: {  	_ =	swait.eq [sflag:s15], $0x1  }
0x94: {  	[sflag:s15] =	ssyncset.done $0x0  }
0x95: {  	s16 =	sld [smem:$0x10];
	[sflag:s15] =	ssyncadd.s32 $0xFFFFFFFF  }
0x96: {  	s17 =	sld [smem:$0x13];
	(tm) =	ssettm $0x1  }
0x97: {  	s18 =	sld [smem:$0x3FFB];
	_ =	sdelay $0x3  }
0x98: {  	_ =	strace s18  }
0x99: {  	s4 =	sld [smem:$0x3FFC];
	_ =	sdelay $0x3  }
0x9a: {  	_ =	strace s4  }
0x9b: {  	s4 =	sld [smem:$0x3FFD];
	_ =	sdelay $0x3  }
0x9c: {  	_ =	strace s4  }
0x9d: {  	_ =	strace $0x8FFFFFFF  }
0x9e: {  	s19 =	sld [smem:$0x3FDB];
	_ =	sdelay $0x1  }
0x9f: {  	s5 =	simm.s32 $_scs_section_size  }
0xa0: {  	s6 =	simm.s32 $_size__tile_overlayer_lowered;
	s7 =	simm.s32 $_tile_overlayer_lowered  }
0xa1: {  	s22 =	simm.s32 $0x1BFF;
	s21 =	sshll.u32 s7, $0x1;
	s4 =	sadd.s32 s5, s19  }
0xa2: {  	s8 =	simm.s32 $0x0;
	s20 =	sshll.u32 s6, $0x1;
	s6 =	sadd.s32 s21, s4  }
0xa3: {  	[timem:s8], [sflag:s22] =	dma.local [hbm:s6], s20  }
0xa4: {  	_ =	swait.ge [sflag:s22], s20  }
0xa5: {  	s5 =	ssub.s32 $0x0, s20;
	[sflag:s22] =	ssyncset.done $0x0  }
0xa6: {  	[sflag:s22] =	ssyncadd.s32 s5;
	_ =	sdelay $0x1  }
0xa7: {  	s23 =	simm.s32 $0x1B8B  }
0xa8: {  	_ =	swait.ge [sflag:s23], $0x1  }
0xa9: {  	[sflag:s23] =	ssyncset.done $0x0  }
0xaa: {  	s25 =	simm.s32 $0x1B8E;
	s24 =	sld [smem:$0x3FFE];
	[sflag:s23] =	ssyncadd.s32 $0xFFFFFFFF  }
0xab: {  	s26 =	simm.s32 $execute0_lowered;
	[smem:$0x3FD2] =	sst s25  }
0xac: {  	s6 =	sshll.u32 s26, $0x1;
	_ =	strace $0x80000046;
	[dreg:$0x1] =	wrdreg $0xFFFFFFFF  }
0xad: {  	s28 =	simm.s32 $_size_execute0_lowered;
	s4 =	sadd.s32 s4, s6;
	[dreg:$0x0] =	wrdreg $0x0  }
0xae: {  	s6 =	sshll.u32 s28, $0x1;
	[dreg:$0x2] =	wrdreg s4  }
0xaf: {  	[dreg:$0x3] =	wrdreg s6  }
0xb0: {  	[dreg:$0x4] =	wrdreg $0xC0  }
0xb1: {  	_ =	task [dreg:s8], $0x5FFFF  }
0xb2: {  	[dreg:$0x1] =	wrdreg $0xFFFFFFFF  }
0xb3: {  	[dreg:$0x0] =	wrdreg $0x60  }
0xb4: {  	[dreg:$0x2] =	wrdreg s16  }
0xb5: {  	[dreg:$0x3] =	wrdreg s17  }
0xb6: {  	[dreg:$0x4] =	wrdreg s24  }
0xb7: {  	[dreg:$0x5] =	wrdreg $0x9  }
0xb8: {  	_ =	task.clear_ibuf [dreg:s8], $0x6FFFF;
	_ =	strace $0x90000046  }
0xb9: {  	s29 =	simm.s32 $0x9;
	_ =	strace $0x80000048  }
0xba: {  	_ =	swait.ge [sflag:s29], $0x1  }
0xbb: {  	[sflag:s29] =	ssyncadd.s32 $0xFFFFFFFF  }
0xbc: {  	_ =	strace $0x90000048  }
0xbd: {  	_ =	sfence  }
0xbe: {  	s30 =	sld [smem:$0x0];
	_ =	sdelay $0x2  }
0xbf: {  	s31 =	sshll.u32 s1, $0xD;
	s1 =	sshrl.u32 s1, $0x2  }
0xc0: {  	s3 =	sand.u32 $0x4000, s31;
	s1 =	sadd.s32 s1, s30  }
0xc1: {  	s0 =	sor.u32 s3, s0;
	s1 =	sshll.u32 s1, $0x11  }
0xc2: {  	s0 =	sor.u32 s1, s0  }
0xc3: {  	s0 =	sadd.s32 $0x8F2B, s0  }
0xc4: {  	[sflag:s0] =	ssyncadd.remote.s32 $0x1  }
0xc5: {  	_ =	sfence.sel $0xFFFF  }
0xc6: {  	[dreg:$0x0] =	wrdreg $0xFFFFFFFF;
	(pc) =	sbr.abs _section_cstart, $3  }
0xc7: {  	[dreg:$0x1] =	wrdreg $0xFFFFFFFF  }
0xc8: {  	_ =	task.clear_ibuf [dreg:s8], $0x2FFFF;
	_ =	strace $0x9FFFFFFF  }
0xc9: {  	(tm) =	ssettm $0x7FFFFFFF  }
tec
execute0_lowered:
.L_overlay_start_1:
0x0: {  	(tag) =	ssettag $0x1  }
0x1: {  	s1 =	rddreg [dreg:$0x0]  }
0x2: {  	s2 =	srdreg.scid;
	s0 =	stileid.u32  }
0x3: {  	s4 =	rddreg [dreg:$0x1];
	s6 =	sand.u32 $0x1, s2;
	s30 =	sshll.u32 s0, $0x1  }
0x4: {  	s9 =	rddreg [dreg:$0x2];
	s3 =	simm.s32 $0x0;
	s7 =	sor.u32 s6, s30  }
0x5: {  	s8 =	simm.s32 $0x1;
	[smem:$0x7FF] =	sst s3;
	s5 =	smul.u32 $0x62, s7  }
0x6: {  	s2 =	rddreg [dreg:$0x3];
	_ =	strace $0x80000047;
	s11 =	ssub.s32 $0x2, s6  }
0x7: {  	s6 =	simm.s32 $0x310;
	s5 =	sadd.s32 s4, s5;
	s4 =	simm.s32 $0x2  }
0x8: {  	[tilespmem:s3], [sflag:$0x2] =	stream.linear.gather [hbm4b:s5+s3], $0x310, $0x38;
	[tilespmem:$0x18B80] =	vst v63  }
0x9: {  	s10 =	smul.u32 $0x3100, s7;
	s12 =	sshrl.u32 s11, $0x1;
	_ =	swait.ge [sflag:s4], $0x310  }
0xa: {  	s7 =	simm.s32 $0x380;
	s31 =	ssub.s32 s11, s12;
	[sflag:s4] =	ssyncset.done $0x0  }
0xb: {  	s9 =	sadd.s32 s10, s9;
	s10 =	smax.u32 s31, $0x1;
	[sflag:s4] =	ssyncadd.s32 $0xFFFFFCF0  }
0xc: {  	[tilespmem:s7], [sflag:$0x1] =	stream.indirect.gather [hbm4b:s1+s6], $0x80, s3, s6, $0xb8;
	[tilespmem:$0x18B80] =	vst v63  }
0xd: {  	p0 =	sne.s32 s10, $0x1;
	_ =	swait.ge [sflag:s8], $0x18800  }
.Ltmp0:
0xe: {  	[sflag:s8] =	ssyncset.done $0x0;
	(pc) =	sbr.rel @!p0 .LBB2_2-.Ltmp0, $4  }
0xf: {  	s9 =	sadd.s32 $0xE400, s9;
	[sflag:s8] =	ssyncadd.s32 $0xFFFE7800  }
0x10: {  	[hbm4b:s9+s3] =	stream.linear.scatter [tilespmem:s7], [sflag:$0x2], $0x18800, $0x38;
	[tilespmem:$0x18B80] =	vst v63  }
0x11: {  	_ =	swait.ge [sflag:s4], $0x18800  }
0x12: {  	s10 =	sadd.s32 $0xFFFFFFFF, s10;
	[sflag:s4] =	ssyncset.done $0x0  }
.LBB2_1:
0x13: {  	p0 =	sne.s32 s10, $0x1;
	s10 =	sadd.s32 $0xFFFFFFFF, s10;
	[sflag:s4] =	ssyncadd.s32 $0xFFFE7800  }
0x14: {  	[tilespmem:s3], [sflag:$0x2] =	stream.linear.gather [hbm4b:s5+s3], $0x310, $0x38;
	[tilespmem:$0x18B80] =	vst v63  }
0x15: {  	_ =	swait.ge [sflag:s4], $0x310  }
0x16: {  	[sflag:s4] =	ssyncset.done $0x0  }
0x17: {  	[sflag:s4] =	ssyncadd.s32 $0xFFFFFCF0  }
0x18: {  	[tilespmem:s7], [sflag:$0x1] =	stream.indirect.gather [hbm4b:s1+s6], $0x80, s3, s6, $0xb8;
	[tilespmem:$0x18B80] =	vst v63  }
0x19: {  	_ =	swait.ge [sflag:s8], $0x18800  }
.Ltmp1:
0x1a: {  	[sflag:s8] =	ssyncset.done $0x0;
	(pc) =	sbr.rel @p0 .LBB2_1-.Ltmp1, $4  }
0x1b: {  	[sflag:s8] =	ssyncadd.s32 $0xFFFE7800  }
0x1c: {  	[hbm4b:s9+s3] =	stream.linear.scatter [tilespmem:s7], [sflag:$0x2], $0x18800, $0x38;
	[tilespmem:$0x18B80] =	vst v63  }
0x1d: {  	_ =	swait.ge [sflag:s4], $0x18800  }
0x1e: {  	[sflag:s4] =	ssyncset.done $0x0  }
.LBB2_2:
0x1f: {  	[sflag:s4] =	ssyncadd.s32 $0xFFFE7800  }
0x20: {  	_ =	sfence.sel $0x180000  }
0x21: {  	[bflag:$0x0] =	sbarrier.arrive $0xFFFF  }
0x22: {  	p0 =	sne.s32 s0, $0x0;
	_ =	strace $0x90000047  }
0x23: {  	s0 =	sadd.s32 @!p0 $0x100000, s2;
	[bflag:$0x2] =	sbarrier.arrive $0xFFFF  }
0x24: {  	[sflag:s0] =	ssyncadd.tile.s32 @!p0 $0x1;
	_ =	shalt  }
.Lfunc_end2:
_tile_overlayer_lowered:
.L_overlay_start_2:
0x25: {  	(tag) =	ssettag $0x2  }
0x26: {  	s0 =	rddreg [dreg:$0x0];
	s2 =	stileid.u32  }
0x27: {  	s1 =	rddreg [dreg:$0x1];
	p0 =	sne.s32 s2, $0x0  }
0x28: {  	s3 =	rddreg [dreg:$0x2];
	[bflag:$0x3] =	sbarrier.arrive $0xFFFF;
	s2 =	simm.s32 @!p0 $0x1C02  }
0x29: {  	[timem:s3], [sflag:s2] =	dma.local @!p0 [hbm:s0], s1  }
0x2a: {  	s0 =	simm.s32 @!p0 $0x2  }
0x2b: {  	_ =	swait.ge @!p0 [sflag:s0], s1  }
0x2c: {  	s1 =	ssub.s32 @!p0 $0x0, s1;
	[sflag:s0] =	ssyncset.done @!p0 $0x0  }
0x2d: {  	[sflag:s0] =	ssyncadd.s32 @!p0 s1  }
0x2e: {  	[bflag:$0x3] =	sbarrier.arrive $0xFFFF  }
0x2f: {  	_ =	shalt  }

</sc_bundles>
